<compile_context>
chip_gen: v7x
topology: tpu7x:2x2x1
jax: 0.10.2.dev20260603
libtpu: 0.0.44.dev20260713+nightly
codegen_flags: <defaults>
</compile_context>

<pallas_src>
import jax
import jax.numpy as jnp
from jax import lax
from jax.experimental import pallas as pl
from jax.experimental.pallas import tpu as pltpu
from jax.experimental.pallas import tpu_sc as plsc

NC = 2
NS = 16
L = 16
NW = NC * NS
B = 16384
D = 16
BPW = B // NW
NCHUNK = 4
CW = BPW // NCHUNK
G = BPW // L


def _gmf_body(uidx_hbm, iidx_hbm, u1_hbm, i1_hbm, u2_hbm, i2_hbm, wb_hbm,
              out_hbm,
              uidx_v, iidx_v, u1_v, i1_v, u2_v, i2_v, wb_v, out_v, sem):
    wid = lax.axis_index("s") * NC + lax.axis_index("c")

    pltpu.sync_copy(wb_hbm, wb_v)
    pltpu.sync_copy(uidx_hbm.at[wid], uidx_v)
    pltpu.sync_copy(iidx_hbm.at[wid], iidx_v)

    copies = []
    for j in range(NCHUNK):
        rows = pl.ds(j * CW, CW)
        copies.append(pltpu.async_copy(u1_hbm.at[uidx_v.at[j]], u1_v.at[rows], sem))
        copies.append(pltpu.async_copy(i1_hbm.at[iidx_v.at[j]], i1_v.at[rows], sem))
        copies.append(pltpu.async_copy(u2_hbm.at[uidx_v.at[j]], u2_v.at[rows], sem))
        copies.append(pltpu.async_copy(i2_hbm.at[iidx_v.at[j]], i2_v.at[rows], sem))
    for c in copies:
        c.wait()

    w1 = wb_v[pl.ds(0, L)]
    w2 = wb_v[pl.ds(L, L)]
    bv = wb_v[pl.ds(2 * L, L)]
    lane = lax.iota(jnp.int32, L)

    def group(g, carry):
        base = g * L
        res = jnp.zeros((L,), jnp.float32)
        for k in range(L):
            r = base + k
            s = u1_v[r] * i1_v[r] * w1 + u2_v[r] * i2_v[r] * w2
            res = jnp.where(lane == k, jnp.sum(s), res)
        out_v[pl.ds(base, L)] = jnp.maximum(res + bv, 0.0)
        return carry

    lax.fori_loop(0, G, group, 0)
    pltpu.sync_copy(out_v, out_hbm.at[pl.ds(wid * BPW, BPW)])


@jax.jit
def kernel(user_inputs, item_inputs, U1, I1, U2, I2, W, b):
    wb = jnp.concatenate([W.reshape(2 * D), jnp.broadcast_to(b, (L,))])
    uidx = user_inputs.reshape(NW, NCHUNK, CW)
    iidx = item_inputs.reshape(NW, NCHUNK, CW)
    mesh = plsc.VectorSubcoreMesh(core_axis_name="c", subcore_axis_name="s",
                                  num_cores=NC, num_subcores=NS)
    run = pl.kernel(
        _gmf_body,
        out_type=jax.ShapeDtypeStruct((B,), jnp.float32),
        mesh=mesh,
        compiler_params=pltpu.CompilerParams(needs_layout_passes=False,
                                             use_tc_tiling_on_sc=False),
        scratch_types=[
            pltpu.VMEM((NCHUNK, CW), jnp.int32),
            pltpu.VMEM((NCHUNK, CW), jnp.int32),
            pltpu.VMEM((BPW, D), jnp.float32),
            pltpu.VMEM((BPW, D), jnp.float32),
            pltpu.VMEM((BPW, D), jnp.float32),
            pltpu.VMEM((BPW, D), jnp.float32),
            pltpu.VMEM((3 * L,), jnp.float32),
            pltpu.VMEM((BPW,), jnp.float32),
            pltpu.SemaphoreType.DMA,
        ],
    )
    out = run(uidx, iidx, U1, I1, U2, I2, wb)
    return out.reshape(B, 1)

# --- scband reference (transcript-rebuilt; emitter-appended) ---
"""Pipeline reference for scband-gmf-fed-31748398252659 (READ-ONLY COPY).

The authoritative reference and input builder live on the scoring server;
editing this copy changes nothing except your own understanding.
"""

import jax, jax.numpy as jnp
import numpy as np

USER_NUM = 100000
ITEM_NUM = 1000000
B = 16384
D = 16  # Layers[0]


def setup_inputs(seed: int = 0) -> dict:
    key = jax.random.key(seed)
    ks = jax.random.split(key, 8)
    return {
        "user_inputs": jax.random.randint(ks[0], (B,), 0, USER_NUM, dtype=jnp.int32),
        "item_inputs": jax.random.randint(ks[1], (B,), 0, ITEM_NUM, dtype=jnp.int32),
        "U1": jax.random.normal(ks[2], (USER_NUM, D), dtype=jnp.float32) * 0.01,
        "I1": jax.random.normal(ks[3], (ITEM_NUM, D), dtype=jnp.float32) * 0.01,
        "U2": jax.random.normal(ks[4], (USER_NUM, D), dtype=jnp.float32) * 0.01,
        "I2": jax.random.normal(ks[5], (ITEM_NUM, D), dtype=jnp.float32) * 0.01,
        "W": jax.random.normal(ks[6], (1, 2 * D), dtype=jnp.float32) * 0.1,
        "b": jnp.zeros((1,), dtype=jnp.float32),
    }


def reference(user_inputs, item_inputs, U1, I1, U2, I2, W, b):
    # embedding lookups (gather)
    gmf1_user = jnp.take(U1, user_inputs, axis=0)
    gmf1_item = jnp.take(I1, item_inputs, axis=0)
    gmf2_user = jnp.take(U2, user_inputs, axis=0)
    gmf2_item = jnp.take(I2, item_inputs, axis=0)
    fed_user = jnp.concatenate((gmf1_user, gmf2_user), axis=1)
    fed_item = jnp.concatenate((gmf1_item, gmf2_item), axis=1)
    embedding_vec = fed_user * fed_item
    pred = embedding_vec @ W.T + b
    outputs = jax.nn.relu(pred)
    return outputs

if __name__ == "__main__":
    import jax
    _d = setup_inputs()
    print(jax.jit(kernel)(*tuple(_d.values())))

</pallas_src>

<mosaic_0001>
#map = affine_map<(d0, d1) -> (0, 0, 0)>
#map1 = affine_map<(d0, d1) -> (0, 0)>
#map2 = affine_map<(d0, d1) -> (0)>
module attributes {stable_mosaic.version = 14 : i64} {
  func.func @_gmf_body(%arg0: i32, %arg1: i32, %arg2: memref<32x4x128xi32, #tpu.memory_space<hbm>>, %arg3: memref<32x4x128xi32, #tpu.memory_space<hbm>>, %arg4: memref<100000x16xf32, #tpu.memory_space<hbm>>, %arg5: memref<1000000x16xf32, #tpu.memory_space<hbm>>, %arg6: memref<100000x16xf32, #tpu.memory_space<hbm>>, %arg7: memref<1000000x16xf32, #tpu.memory_space<hbm>>, %arg8: memref<48xf32, #tpu.memory_space<hbm>>, %arg9: memref<16384xf32, #tpu.memory_space<hbm>>, %arg10: memref<4x128xi32, #tpu.memory_space<vmem>>, %arg11: memref<4x128xi32, #tpu.memory_space<vmem>>, %arg12: memref<512x16xf32, #tpu.memory_space<vmem>>, %arg13: memref<512x16xf32, #tpu.memory_space<vmem>>, %arg14: memref<512x16xf32, #tpu.memory_space<vmem>>, %arg15: memref<512x16xf32, #tpu.memory_space<vmem>>, %arg16: memref<48xf32, #tpu.memory_space<vmem>>, %arg17: memref<512xf32, #tpu.memory_space<vmem>>, %arg18: memref<!tpu.dma_semaphore, #tpu.memory_space<semaphore_mem>>) attributes {dimension_semantics = [#tpu.dimension_semantics<core_parallel>, #tpu.dimension_semantics<subcore_parallel>], iteration_bounds = array<i64: 2, 16>, scalar_prefetch = 0 : i64, scratch_operands = 9 : i64, tpu.core_type = #tpu.core_type<sc_vector_subcore>, window_params = [{transform_indices = #map}, {transform_indices = #map}, {transform_indices = #map1}, {transform_indices = #map1}, {transform_indices = #map1}, {transform_indices = #map1}, {transform_indices = #map2}, {transform_indices = #map2}]} {
    %mul3A = arith.constant 2 : i32
    %mul3A_0 = arith.muli %arg1, %mul3A : i32
    %add3A = arith.addi %mul3A_0, %arg0 : i32
    "tpu.region"() ({
      %run_scoped3A = tpu.sem_alloc : memref<!tpu.dma_semaphore, #tpu.memory_space<semaphore_mem>>
      tpu.enqueue_dma source(%arg8 : memref<48xf32, #tpu.memory_space<hbm>>) target(%arg16 : memref<48xf32, #tpu.memory_space<vmem>>) target_semaphore(%run_scoped3A : memref<!tpu.dma_semaphore, #tpu.memory_space<semaphore_mem>>)
      tpu.wait_dma2 semaphore(%run_scoped3A : memref<!tpu.dma_semaphore, #tpu.memory_space<semaphore_mem>>) src(%arg8 : memref<48xf32, #tpu.memory_space<hbm>>) dst(%arg16 : memref<48xf32, #tpu.memory_space<vmem>>)
      tpu.yield
    }) : () -> ()
    "tpu.region"() ({
      %run_scoped3A = tpu.sem_alloc : memref<!tpu.dma_semaphore, #tpu.memory_space<semaphore_mem>>
      %dma_start3A_331 = arith.constant 0 : i32
      %dma_start3A_332 = arith.constant 0 : i32
      %dma_start3A_333 = tpu.memref_slice %arg2[%add3A, %dma_start3A_331, %dma_start3A_332] : memref<32x4x128xi32, #tpu.memory_space<hbm>> -> memref<1x4x128xi32, #tpu.memory_space<hbm>>
      %dma_start3A_334 = tpu.memref_squeeze %dma_start3A_333 : memref<1x4x128xi32, #tpu.memory_space<hbm>> -> memref<4x128xi32, #tpu.memory_space<hbm>>
      %dma_start3A_335 = arith.constant 0 : i32
      %dma_start3A_336 = arith.constant 0 : i32
      %dma_start3A_337 = tpu.memref_slice %arg2[%add3A, %dma_start3A_335, %dma_start3A_336] : memref<32x4x128xi32, #tpu.memory_space<hbm>> -> memref<1x4x128xi32, #tpu.memory_space<hbm>>
      %dma_start3A_338 = tpu.memref_squeeze %dma_start3A_337 : memref<1x4x128xi32, #tpu.memory_space<hbm>> -> memref<4x128xi32, #tpu.memory_space<hbm>>
      tpu.enqueue_dma source(%dma_start3A_338 : memref<4x128xi32, #tpu.memory_space<hbm>>) target(%arg10 : memref<4x128xi32, #tpu.memory_space<vmem>>) target_semaphore(%run_scoped3A : memref<!tpu.dma_semaphore, #tpu.memory_space<semaphore_mem>>)
      %dma_wait3A_339 = arith.constant 0 : i32
      %dma_wait3A_340 = arith.constant 0 : i32
      %dma_wait3A_341 = tpu.memref_slice %arg2[%add3A, %dma_wait3A_339, %dma_wait3A_340] : memref<32x4x128xi32, #tpu.memory_space<hbm>> -> memref<1x4x128xi32, #tpu.memory_space<hbm>>
      %dma_wait3A_342 = tpu.memref_squeeze %dma_wait3A_341 : memref<1x4x128xi32, #tpu.memory_space<hbm>> -> memref<4x128xi32, #tpu.memory_space<hbm>>
      %dma_wait3A_343 = arith.constant 0 : i32
      %dma_wait3A_344 = arith.constant 0 : i32
      %dma_wait3A_345 = tpu.memref_slice %arg2[%add3A, %dma_wait3A_343, %dma_wait3A_344] : memref<32x4x128xi32, #tpu.memory_space<hbm>> -> memref<1x4x128xi32, #tpu.memory_space<hbm>>
      %dma_wait3A_346 = tpu.memref_squeeze %dma_wait3A_345 : memref<1x4x128xi32, #tpu.memory_space<hbm>> -> memref<4x128xi32, #tpu.memory_space<hbm>>
      tpu.wait_dma2 semaphore(%run_scoped3A : memref<!tpu.dma_semaphore, #tpu.memory_space<semaphore_mem>>) src(%dma_wait3A_346 : memref<4x128xi32, #tpu.memory_space<hbm>>) dst(%arg10 : memref<4x128xi32, #tpu.memory_space<vmem>>)
      tpu.yield
    }) : () -> ()
    "tpu.region"() ({
      %run_scoped3A = tpu.sem_alloc : memref<!tpu.dma_semaphore, #tpu.memory_space<semaphore_mem>>
      %dma_start3A_331 = arith.constant 0 : i32
      %dma_start3A_332 = arith.constant 0 : i32
      %dma_start3A_333 = tpu.memref_slice %arg3[%add3A, %dma_start3A_331, %dma_start3A_332] : memref<32x4x128xi32, #tpu.memory_space<hbm>> -> memref<1x4x128xi32, #tpu.memory_space<hbm>>
      %dma_start3A_334 = tpu.memref_squeeze %dma_start3A_333 : memref<1x4x128xi32, #tpu.memory_space<hbm>> -> memref<4x128xi32, #tpu.memory_space<hbm>>
      %dma_start3A_335 = arith.constant 0 : i32
      %dma_start3A_336 = arith.constant 0 : i32
      %dma_start3A_337 = tpu.memref_slice %arg3[%add3A, %dma_start3A_335, %dma_start3A_336] : memref<32x4x128xi32, #tpu.memory_space<hbm>> -> memref<1x4x128xi32, #tpu.memory_space<hbm>>
      %dma_start3A_338 = tpu.memref_squeeze %dma_start3A_337 : memref<1x4x128xi32, #tpu.memory_space<hbm>> -> memref<4x128xi32, #tpu.memory_space<hbm>>
      tpu.enqueue_dma source(%dma_start3A_338 : memref<4x128xi32, #tpu.memory_space<hbm>>) target(%arg11 : memref<4x128xi32, #tpu.memory_space<vmem>>) target_semaphore(%run_scoped3A : memref<!tpu.dma_semaphore, #tpu.memory_space<semaphore_mem>>)
      %dma_wait3A_339 = arith.constant 0 : i32
      %dma_wait3A_340 = arith.constant 0 : i32
      %dma_wait3A_341 = tpu.memref_slice %arg3[%add3A, %dma_wait3A_339, %dma_wait3A_340] : memref<32x4x128xi32, #tpu.memory_space<hbm>> -> memref<1x4x128xi32, #tpu.memory_space<hbm>>
      %dma_wait3A_342 = tpu.memref_squeeze %dma_wait3A_341 : memref<1x4x128xi32, #tpu.memory_space<hbm>> -> memref<4x128xi32, #tpu.memory_space<hbm>>
      %dma_wait3A_343 = arith.constant 0 : i32
      %dma_wait3A_344 = arith.constant 0 : i32
      %dma_wait3A_345 = tpu.memref_slice %arg3[%add3A, %dma_wait3A_343, %dma_wait3A_344] : memref<32x4x128xi32, #tpu.memory_space<hbm>> -> memref<1x4x128xi32, #tpu.memory_space<hbm>>
      %dma_wait3A_346 = tpu.memref_squeeze %dma_wait3A_345 : memref<1x4x128xi32, #tpu.memory_space<hbm>> -> memref<4x128xi32, #tpu.memory_space<hbm>>
      tpu.wait_dma2 semaphore(%run_scoped3A : memref<!tpu.dma_semaphore, #tpu.memory_space<semaphore_mem>>) src(%dma_wait3A_346 : memref<4x128xi32, #tpu.memory_space<hbm>>) dst(%arg11 : memref<4x128xi32, #tpu.memory_space<vmem>>)
      tpu.yield
    }) : () -> ()
    %dma_start3A = arith.constant 0 : i32
    %dma_start3A_1 = arith.constant 0 : i32
    %dma_start3A_2 = arith.constant 0 : i32
    %dma_start3A_3 = tpu.memref_slice %arg12[%dma_start3A_1, %dma_start3A_2] : memref<512x16xf32, #tpu.memory_space<vmem>> -> memref<128x16xf32, #tpu.memory_space<vmem>>
    %dma_start3A_4 = arith.constant 0 : i32
    %dma_start3A_5 = tpu.memref_slice %arg10[%dma_start3A, %dma_start3A_4] : memref<4x128xi32, #tpu.memory_space<vmem>> -> memref<1x128xi32, #tpu.memory_space<vmem>>
    %dma_start3A_6 = tpu.memref_squeeze %dma_start3A_5 : memref<1x128xi32, #tpu.memory_space<vmem>> -> memref<128xi32, #tpu.memory_space<vmem>>
    %dma_start3A_7 = arith.constant 0 : i32
    %dma_start3A_8 = arith.constant 0 : i32
    %dma_start3A_9 = tpu.memref_slice %arg4[%dma_start3A_7, %dma_start3A_8] : memref<100000x16xf32, #tpu.memory_space<hbm>> -> memref<100000x16xf32, #tpu.memory_space<hbm>>
    tpu.enqueue_indirect_dma source(%dma_start3A_9 : memref<100000x16xf32, #tpu.memory_space<hbm>>) target(%dma_start3A_3 : memref<128x16xf32, #tpu.memory_space<vmem>>) offsets(%dma_start3A_6 : memref<128xi32, #tpu.memory_space<vmem>>) semaphore(%arg18 : memref<!tpu.dma_semaphore, #tpu.memory_space<semaphore_mem>>)
    %dma_start3A_10 = arith.constant 0 : i32
    %dma_start3A_11 = arith.constant 0 : i32
    %dma_start3A_12 = arith.constant 0 : i32
    %dma_start3A_13 = tpu.memref_slice %arg13[%dma_start3A_11, %dma_start3A_12] : memref<512x16xf32, #tpu.memory_space<vmem>> -> memref<128x16xf32, #tpu.memory_space<vmem>>
    %dma_start3A_14 = arith.constant 0 : i32
    %dma_start3A_15 = tpu.memref_slice %arg11[%dma_start3A_10, %dma_start3A_14] : memref<4x128xi32, #tpu.memory_space<vmem>> -> memref<1x128xi32, #tpu.memory_space<vmem>>
    %dma_start3A_16 = tpu.memref_squeeze %dma_start3A_15 : memref<1x128xi32, #tpu.memory_space<vmem>> -> memref<128xi32, #tpu.memory_space<vmem>>
    %dma_start3A_17 = arith.constant 0 : i32
    %dma_start3A_18 = arith.constant 0 : i32
    %dma_start3A_19 = tpu.memref_slice %arg5[%dma_start3A_17, %dma_start3A_18] : memref<1000000x16xf32, #tpu.memory_space<hbm>> -> memref<1000000x16xf32, #tpu.memory_space<hbm>>
    tpu.enqueue_indirect_dma source(%dma_start3A_19 : memref<1000000x16xf32, #tpu.memory_space<hbm>>) target(%dma_start3A_13 : memref<128x16xf32, #tpu.memory_space<vmem>>) offsets(%dma_start3A_16 : memref<128xi32, #tpu.memory_space<vmem>>) semaphore(%arg18 : memref<!tpu.dma_semaphore, #tpu.memory_space<semaphore_mem>>)
    %dma_start3A_20 = arith.constant 0 : i32
    %dma_start3A_21 = arith.constant 0 : i32
    %dma_start3A_22 = arith.constant 0 : i32
    %dma_start3A_23 = tpu.memref_slice %arg14[%dma_start3A_21, %dma_start3A_22] : memref<512x16xf32, #tpu.memory_space<vmem>> -> memref<128x16xf32, #tpu.memory_space<vmem>>
    %dma_start3A_24 = arith.constant 0 : i32
    %dma_start3A_25 = tpu.memref_slice %arg10[%dma_start3A_20, %dma_start3A_24] : memref<4x128xi32, #tpu.memory_space<vmem>> -> memref<1x128xi32, #tpu.memory_space<vmem>>
    %dma_start3A_26 = tpu.memref_squeeze %dma_start3A_25 : memref<1x128xi32, #tpu.memory_space<vmem>> -> memref<128xi32, #tpu.memory_space<vmem>>
    %dma_start3A_27 = arith.constant 0 : i32
    %dma_start3A_28 = arith.constant 0 : i32
    %dma_start3A_29 = tpu.memref_slice %arg6[%dma_start3A_27, %dma_start3A_28] : memref<100000x16xf32, #tpu.memory_space<hbm>> -> memref<100000x16xf32, #tpu.memory_space<hbm>>
    tpu.enqueue_indirect_dma source(%dma_start3A_29 : memref<100000x16xf32, #tpu.memory_space<hbm>>) target(%dma_start3A_23 : memref<128x16xf32, #tpu.memory_space<vmem>>) offsets(%dma_start3A_26 : memref<128xi32, #tpu.memory_space<vmem>>) semaphore(%arg18 : memref<!tpu.dma_semaphore, #tpu.memory_space<semaphore_mem>>)
    %dma_start3A_30 = arith.constant 0 : i32
    %dma_start3A_31 = arith.constant 0 : i32
    %dma_start3A_32 = arith.constant 0 : i32
    %dma_start3A_33 = tpu.memref_slice %arg15[%dma_start3A_31, %dma_start3A_32] : memref<512x16xf32, #tpu.memory_space<vmem>> -> memref<128x16xf32, #tpu.memory_space<vmem>>
    %dma_start3A_34 = arith.constant 0 : i32
    %dma_start3A_35 = tpu.memref_slice %arg11[%dma_start3A_30, %dma_start3A_34] : memref<4x128xi32, #tpu.memory_space<vmem>> -> memref<1x128xi32, #tpu.memory_space<vmem>>
    %dma_start3A_36 = tpu.memref_squeeze %dma_start3A_35 : memref<1x128xi32, #tpu.memory_space<vmem>> -> memref<128xi32, #tpu.memory_space<vmem>>
    %dma_start3A_37 = arith.constant 0 : i32
    %dma_start3A_38 = arith.constant 0 : i32
    %dma_start3A_39 = tpu.memref_slice %arg7[%dma_start3A_37, %dma_start3A_38] : memref<1000000x16xf32, #tpu.memory_space<hbm>> -> memref<1000000x16xf32, #tpu.memory_space<hbm>>
    tpu.enqueue_indirect_dma source(%dma_start3A_39 : memref<1000000x16xf32, #tpu.memory_space<hbm>>) target(%dma_start3A_33 : memref<128x16xf32, #tpu.memory_space<vmem>>) offsets(%dma_start3A_36 : memref<128xi32, #tpu.memory_space<vmem>>) semaphore(%arg18 : memref<!tpu.dma_semaphore, #tpu.memory_space<semaphore_mem>>)
    %dma_start3A_40 = arith.constant 1 : i32
    %dma_start3A_41 = arith.constant 128 : i32
    %dma_start3A_42 = arith.constant 0 : i32
    %dma_start3A_43 = tpu.memref_slice %arg12[%dma_start3A_41, %dma_start3A_42] : memref<512x16xf32, #tpu.memory_space<vmem>> -> memref<128x16xf32, #tpu.memory_space<vmem>>
    %dma_start3A_44 = arith.constant 0 : i32
    %dma_start3A_45 = tpu.memref_slice %arg10[%dma_start3A_40, %dma_start3A_44] : memref<4x128xi32, #tpu.memory_space<vmem>> -> memref<1x128xi32, #tpu.memory_space<vmem>>
    %dma_start3A_46 = tpu.memref_squeeze %dma_start3A_45 : memref<1x128xi32, #tpu.memory_space<vmem>> -> memref<128xi32, #tpu.memory_space<vmem>>
    %dma_start3A_47 = arith.constant 0 : i32
    %dma_start3A_48 = arith.constant 0 : i32
    %dma_start3A_49 = tpu.memref_slice %arg4[%dma_start3A_47, %dma_start3A_48] : memref<100000x16xf32, #tpu.memory_space<hbm>> -> memref<100000x16xf32, #tpu.memory_space<hbm>>
    tpu.enqueue_indirect_dma source(%dma_start3A_49 : memref<100000x16xf32, #tpu.memory_space<hbm>>) target(%dma_start3A_43 : memref<128x16xf32, #tpu.memory_space<vmem>>) offsets(%dma_start3A_46 : memref<128xi32, #tpu.memory_space<vmem>>) semaphore(%arg18 : memref<!tpu.dma_semaphore, #tpu.memory_space<semaphore_mem>>)
    %dma_start3A_50 = arith.constant 1 : i32
    %dma_start3A_51 = arith.constant 128 : i32
    %dma_start3A_52 = arith.constant 0 : i32
    %dma_start3A_53 = tpu.memref_slice %arg13[%dma_start3A_51, %dma_start3A_52] : memref<512x16xf32, #tpu.memory_space<vmem>> -> memref<128x16xf32, #tpu.memory_space<vmem>>
    %dma_start3A_54 = arith.constant 0 : i32
    %dma_start3A_55 = tpu.memref_slice %arg11[%dma_start3A_50, %dma_start3A_54] : memref<4x128xi32, #tpu.memory_space<vmem>> -> memref<1x128xi32, #tpu.memory_space<vmem>>
    %dma_start3A_56 = tpu.memref_squeeze %dma_start3A_55 : memref<1x128xi32, #tpu.memory_space<vmem>> -> memref<128xi32, #tpu.memory_space<vmem>>
    %dma_start3A_57 = arith.constant 0 : i32
    %dma_start3A_58 = arith.constant 0 : i32
    %dma_start3A_59 = tpu.memref_slice %arg5[%dma_start3A_57, %dma_start3A_58] : memref<1000000x16xf32, #tpu.memory_space<hbm>> -> memref<1000000x16xf32, #tpu.memory_space<hbm>>
    tpu.enqueue_indirect_dma source(%dma_start3A_59 : memref<1000000x16xf32, #tpu.memory_space<hbm>>) target(%dma_start3A_53 : memref<128x16xf32, #tpu.memory_space<vmem>>) offsets(%dma_start3A_56 : memref<128xi32, #tpu.memory_space<vmem>>) semaphore(%arg18 : memref<!tpu.dma_semaphore, #tpu.memory_space<semaphore_mem>>)
    %dma_start3A_60 = arith.constant 1 : i32
    %dma_start3A_61 = arith.constant 128 : i32
    %dma_start3A_62 = arith.constant 0 : i32
    %dma_start3A_63 = tpu.memref_slice %arg14[%dma_start3A_61, %dma_start3A_62] : memref<512x16xf32, #tpu.memory_space<vmem>> -> memref<128x16xf32, #tpu.memory_space<vmem>>
    %dma_start3A_64 = arith.constant 0 : i32
    %dma_start3A_65 = tpu.memref_slice %arg10[%dma_start3A_60, %dma_start3A_64] : memref<4x128xi32, #tpu.memory_space<vmem>> -> memref<1x128xi32, #tpu.memory_space<vmem>>
    %dma_start3A_66 = tpu.memref_squeeze %dma_start3A_65 : memref<1x128xi32, #tpu.memory_space<vmem>> -> memref<128xi32, #tpu.memory_space<vmem>>
    %dma_start3A_67 = arith.constant 0 : i32
    %dma_start3A_68 = arith.constant 0 : i32
    %dma_start3A_69 = tpu.memref_slice %arg6[%dma_start3A_67, %dma_start3A_68] : memref<100000x16xf32, #tpu.memory_space<hbm>> -> memref<100000x16xf32, #tpu.memory_space<hbm>>
    tpu.enqueue_indirect_dma source(%dma_start3A_69 : memref<100000x16xf32, #tpu.memory_space<hbm>>) target(%dma_start3A_63 : memref<128x16xf32, #tpu.memory_space<vmem>>) offsets(%dma_start3A_66 : memref<128xi32, #tpu.memory_space<vmem>>) semaphore(%arg18 : memref<!tpu.dma_semaphore, #tpu.memory_space<semaphore_mem>>)
    %dma_start3A_70 = arith.constant 1 : i32
    %dma_start3A_71 = arith.constant 128 : i32
    %dma_start3A_72 = arith.constant 0 : i32
    %dma_start3A_73 = tpu.memref_slice %arg15[%dma_start3A_71, %dma_start3A_72] : memref<512x16xf32, #tpu.memory_space<vmem>> -> memref<128x16xf32, #tpu.memory_space<vmem>>
    %dma_start3A_74 = arith.constant 0 : i32
    %dma_start3A_75 = tpu.memref_slice %arg11[%dma_start3A_70, %dma_start3A_74] : memref<4x128xi32, #tpu.memory_space<vmem>> -> memref<1x128xi32, #tpu.memory_space<vmem>>
    %dma_start3A_76 = tpu.memref_squeeze %dma_start3A_75 : memref<1x128xi32, #tpu.memory_space<vmem>> -> memref<128xi32, #tpu.memory_space<vmem>>
    %dma_start3A_77 = arith.constant 0 : i32
    %dma_start3A_78 = arith.constant 0 : i32
    %dma_start3A_79 = tpu.memref_slice %arg7[%dma_start3A_77, %dma_start3A_78] : memref<1000000x16xf32, #tpu.memory_space<hbm>> -> memref<1000000x16xf32, #tpu.memory_space<hbm>>
    tpu.enqueue_indirect_dma source(%dma_start3A_79 : memref<1000000x16xf32, #tpu.memory_space<hbm>>) target(%dma_start3A_73 : memref<128x16xf32, #tpu.memory_space<vmem>>) offsets(%dma_start3A_76 : memref<128xi32, #tpu.memory_space<vmem>>) semaphore(%arg18 : memref<!tpu.dma_semaphore, #tpu.memory_space<semaphore_mem>>)
    %dma_start3A_80 = arith.constant 2 : i32
    %dma_start3A_81 = arith.constant 256 : i32
    %dma_start3A_82 = arith.constant 0 : i32
    %dma_start3A_83 = tpu.memref_slice %arg12[%dma_start3A_81, %dma_start3A_82] : memref<512x16xf32, #tpu.memory_space<vmem>> -> memref<128x16xf32, #tpu.memory_space<vmem>>
    %dma_start3A_84 = arith.constant 0 : i32
    %dma_start3A_85 = tpu.memref_slice %arg10[%dma_start3A_80, %dma_start3A_84] : memref<4x128xi32, #tpu.memory_space<vmem>> -> memref<1x128xi32, #tpu.memory_space<vmem>>
    %dma_start3A_86 = tpu.memref_squeeze %dma_start3A_85 : memref<1x128xi32, #tpu.memory_space<vmem>> -> memref<128xi32, #tpu.memory_space<vmem>>
    %dma_start3A_87 = arith.constant 0 : i32
    %dma_start3A_88 = arith.constant 0 : i32
    %dma_start3A_89 = tpu.memref_slice %arg4[%dma_start3A_87, %dma_start3A_88] : memref<100000x16xf32, #tpu.memory_space<hbm>> -> memref<100000x16xf32, #tpu.memory_space<hbm>>
    tpu.enqueue_indirect_dma source(%dma_start3A_89 : memref<100000x16xf32, #tpu.memory_space<hbm>>) target(%dma_start3A_83 : memref<128x16xf32, #tpu.memory_space<vmem>>) offsets(%dma_start3A_86 : memref<128xi32, #tpu.memory_space<vmem>>) semaphore(%arg18 : memref<!tpu.dma_semaphore, #tpu.memory_space<semaphore_mem>>)
    %dma_start3A_90 = arith.constant 2 : i32
    %dma_start3A_91 = arith.constant 256 : i32
    %dma_start3A_92 = arith.constant 0 : i32
    %dma_start3A_93 = tpu.memref_slice %arg13[%dma_start3A_91, %dma_start3A_92] : memref<512x16xf32, #tpu.memory_space<vmem>> -> memref<128x16xf32, #tpu.memory_space<vmem>>
    %dma_start3A_94 = arith.constant 0 : i32
    %dma_start3A_95 = tpu.memref_slice %arg11[%dma_start3A_90, %dma_start3A_94] : memref<4x128xi32, #tpu.memory_space<vmem>> -> memref<1x128xi32, #tpu.memory_space<vmem>>
    %dma_start3A_96 = tpu.memref_squeeze %dma_start3A_95 : memref<1x128xi32, #tpu.memory_space<vmem>> -> memref<128xi32, #tpu.memory_space<vmem>>
    %dma_start3A_97 = arith.constant 0 : i32
    %dma_start3A_98 = arith.constant 0 : i32
    %dma_start3A_99 = tpu.memref_slice %arg5[%dma_start3A_97, %dma_start3A_98] : memref<1000000x16xf32, #tpu.memory_space<hbm>> -> memref<1000000x16xf32, #tpu.memory_space<hbm>>
    tpu.enqueue_indirect_dma source(%dma_start3A_99 : memref<1000000x16xf32, #tpu.memory_space<hbm>>) target(%dma_start3A_93 : memref<128x16xf32, #tpu.memory_space<vmem>>) offsets(%dma_start3A_96 : memref<128xi32, #tpu.memory_space<vmem>>) semaphore(%arg18 : memref<!tpu.dma_semaphore, #tpu.memory_space<semaphore_mem>>)
    %dma_start3A_100 = arith.constant 2 : i32
    %dma_start3A_101 = arith.constant 256 : i32
    %dma_start3A_102 = arith.constant 0 : i32
    %dma_start3A_103 = tpu.memref_slice %arg14[%dma_start3A_101, %dma_start3A_102] : memref<512x16xf32, #tpu.memory_space<vmem>> -> memref<128x16xf32, #tpu.memory_space<vmem>>
    %dma_start3A_104 = arith.constant 0 : i32
    %dma_start3A_105 = tpu.memref_slice %arg10[%dma_start3A_100, %dma_start3A_104] : memref<4x128xi32, #tpu.memory_space<vmem>> -> memref<1x128xi32, #tpu.memory_space<vmem>>
    %dma_start3A_106 = tpu.memref_squeeze %dma_start3A_105 : memref<1x128xi32, #tpu.memory_space<vmem>> -> memref<128xi32, #tpu.memory_space<vmem>>
    %dma_start3A_107 = arith.constant 0 : i32
    %dma_start3A_108 = arith.constant 0 : i32
    %dma_start3A_109 = tpu.memref_slice %arg6[%dma_start3A_107, %dma_start3A_108] : memref<100000x16xf32, #tpu.memory_space<hbm>> -> memref<100000x16xf32, #tpu.memory_space<hbm>>
    tpu.enqueue_indirect_dma source(%dma_start3A_109 : memref<100000x16xf32, #tpu.memory_space<hbm>>) target(%dma_start3A_103 : memref<128x16xf32, #tpu.memory_space<vmem>>) offsets(%dma_start3A_106 : memref<128xi32, #tpu.memory_space<vmem>>) semaphore(%arg18 : memref<!tpu.dma_semaphore, #tpu.memory_space<semaphore_mem>>)
    %dma_start3A_110 = arith.constant 2 : i32
    %dma_start3A_111 = arith.constant 256 : i32
    %dma_start3A_112 = arith.constant 0 : i32
    %dma_start3A_113 = tpu.memref_slice %arg15[%dma_start3A_111, %dma_start3A_112] : memref<512x16xf32, #tpu.memory_space<vmem>> -> memref<128x16xf32, #tpu.memory_space<vmem>>
    %dma_start3A_114 = arith.constant 0 : i32
    %dma_start3A_115 = tpu.memref_slice %arg11[%dma_start3A_110, %dma_start3A_114] : memref<4x128xi32, #tpu.memory_space<vmem>> -> memref<1x128xi32, #tpu.memory_space<vmem>>
    %dma_start3A_116 = tpu.memref_squeeze %dma_start3A_115 : memref<1x128xi32, #tpu.memory_space<vmem>> -> memref<128xi32, #tpu.memory_space<vmem>>
    %dma_start3A_117 = arith.constant 0 : i32
    %dma_start3A_118 = arith.constant 0 : i32
    %dma_start3A_119 = tpu.memref_slice %arg7[%dma_start3A_117, %dma_start3A_118] : memref<1000000x16xf32, #tpu.memory_space<hbm>> -> memref<1000000x16xf32, #tpu.memory_space<hbm>>
    tpu.enqueue_indirect_dma source(%dma_start3A_119 : memref<1000000x16xf32, #tpu.memory_space<hbm>>) target(%dma_start3A_113 : memref<128x16xf32, #tpu.memory_space<vmem>>) offsets(%dma_start3A_116 : memref<128xi32, #tpu.memory_space<vmem>>) semaphore(%arg18 : memref<!tpu.dma_semaphore, #tpu.memory_space<semaphore_mem>>)
    %dma_start3A_120 = arith.constant 3 : i32
    %dma_start3A_121 = arith.constant 384 : i32
    %dma_start3A_122 = arith.constant 0 : i32
    %dma_start3A_123 = tpu.memref_slice %arg12[%dma_start3A_121, %dma_start3A_122] : memref<512x16xf32, #tpu.memory_space<vmem>> -> memref<128x16xf32, #tpu.memory_space<vmem>>
    %dma_start3A_124 = arith.constant 0 : i32
    %dma_start3A_125 = tpu.memref_slice %arg10[%dma_start3A_120, %dma_start3A_124] : memref<4x128xi32, #tpu.memory_space<vmem>> -> memref<1x128xi32, #tpu.memory_space<vmem>>
    %dma_start3A_126 = tpu.memref_squeeze %dma_start3A_125 : memref<1x128xi32, #tpu.memory_space<vmem>> -> memref<128xi32, #tpu.memory_space<vmem>>
    %dma_start3A_127 = arith.constant 0 : i32
    %dma_start3A_128 = arith.constant 0 : i32
    %dma_start3A_129 = tpu.memref_slice %arg4[%dma_start3A_127, %dma_start3A_128] : memref<100000x16xf32, #tpu.memory_space<hbm>> -> memref<100000x16xf32, #tpu.memory_space<hbm>>
    tpu.enqueue_indirect_dma source(%dma_start3A_129 : memref<100000x16xf32, #tpu.memory_space<hbm>>) target(%dma_start3A_123 : memref<128x16xf32, #tpu.memory_space<vmem>>) offsets(%dma_start3A_126 : memref<128xi32, #tpu.memory_space<vmem>>) semaphore(%arg18 : memref<!tpu.dma_semaphore, #tpu.memory_space<semaphore_mem>>)
    %dma_start3A_130 = arith.constant 3 : i32
    %dma_start3A_131 = arith.constant 384 : i32
    %dma_start3A_132 = arith.constant 0 : i32
    %dma_start3A_133 = tpu.memref_slice %arg13[%dma_start3A_131, %dma_start3A_132] : memref<512x16xf32, #tpu.memory_space<vmem>> -> memref<128x16xf32, #tpu.memory_space<vmem>>
    %dma_start3A_134 = arith.constant 0 : i32
    %dma_start3A_135 = tpu.memref_slice %arg11[%dma_start3A_130, %dma_start3A_134] : memref<4x128xi32, #tpu.memory_space<vmem>> -> memref<1x128xi32, #tpu.memory_space<vmem>>
    %dma_start3A_136 = tpu.memref_squeeze %dma_start3A_135 : memref<1x128xi32, #tpu.memory_space<vmem>> -> memref<128xi32, #tpu.memory_space<vmem>>
    %dma_start3A_137 = arith.constant 0 : i32
    %dma_start3A_138 = arith.constant 0 : i32
    %dma_start3A_139 = tpu.memref_slice %arg5[%dma_start3A_137, %dma_start3A_138] : memref<1000000x16xf32, #tpu.memory_space<hbm>> -> memref<1000000x16xf32, #tpu.memory_space<hbm>>
    tpu.enqueue_indirect_dma source(%dma_start3A_139 : memref<1000000x16xf32, #tpu.memory_space<hbm>>) target(%dma_start3A_133 : memref<128x16xf32, #tpu.memory_space<vmem>>) offsets(%dma_start3A_136 : memref<128xi32, #tpu.memory_space<vmem>>) semaphore(%arg18 : memref<!tpu.dma_semaphore, #tpu.memory_space<semaphore_mem>>)
    %dma_start3A_140 = arith.constant 3 : i32
    %dma_start3A_141 = arith.constant 384 : i32
    %dma_start3A_142 = arith.constant 0 : i32
    %dma_start3A_143 = tpu.memref_slice %arg14[%dma_start3A_141, %dma_start3A_142] : memref<512x16xf32, #tpu.memory_space<vmem>> -> memref<128x16xf32, #tpu.memory_space<vmem>>
    %dma_start3A_144 = arith.constant 0 : i32
    %dma_start3A_145 = tpu.memref_slice %arg10[%dma_start3A_140, %dma_start3A_144] : memref<4x128xi32, #tpu.memory_space<vmem>> -> memref<1x128xi32, #tpu.memory_space<vmem>>
    %dma_start3A_146 = tpu.memref_squeeze %dma_start3A_145 : memref<1x128xi32, #tpu.memory_space<vmem>> -> memref<128xi32, #tpu.memory_space<vmem>>
    %dma_start3A_147 = arith.constant 0 : i32
    %dma_start3A_148 = arith.constant 0 : i32
    %dma_start3A_149 = tpu.memref_slice %arg6[%dma_start3A_147, %dma_start3A_148] : memref<100000x16xf32, #tpu.memory_space<hbm>> -> memref<100000x16xf32, #tpu.memory_space<hbm>>
    tpu.enqueue_indirect_dma source(%dma_start3A_149 : memref<100000x16xf32, #tpu.memory_space<hbm>>) target(%dma_start3A_143 : memref<128x16xf32, #tpu.memory_space<vmem>>) offsets(%dma_start3A_146 : memref<128xi32, #tpu.memory_space<vmem>>) semaphore(%arg18 : memref<!tpu.dma_semaphore, #tpu.memory_space<semaphore_mem>>)
    %dma_start3A_150 = arith.constant 3 : i32
    %dma_start3A_151 = arith.constant 384 : i32
    %dma_start3A_152 = arith.constant 0 : i32
    %dma_start3A_153 = tpu.memref_slice %arg15[%dma_start3A_151, %dma_start3A_152] : memref<512x16xf32, #tpu.memory_space<vmem>> -> memref<128x16xf32, #tpu.memory_space<vmem>>
    %dma_start3A_154 = arith.constant 0 : i32
    %dma_start3A_155 = tpu.memref_slice %arg11[%dma_start3A_150, %dma_start3A_154] : memref<4x128xi32, #tpu.memory_space<vmem>> -> memref<1x128xi32, #tpu.memory_space<vmem>>
    %dma_start3A_156 = tpu.memref_squeeze %dma_start3A_155 : memref<1x128xi32, #tpu.memory_space<vmem>> -> memref<128xi32, #tpu.memory_space<vmem>>
    %dma_start3A_157 = arith.constant 0 : i32
    %dma_start3A_158 = arith.constant 0 : i32
    %dma_start3A_159 = tpu.memref_slice %arg7[%dma_start3A_157, %dma_start3A_158] : memref<1000000x16xf32, #tpu.memory_space<hbm>> -> memref<1000000x16xf32, #tpu.memory_space<hbm>>
    tpu.enqueue_indirect_dma source(%dma_start3A_159 : memref<1000000x16xf32, #tpu.memory_space<hbm>>) target(%dma_start3A_153 : memref<128x16xf32, #tpu.memory_space<vmem>>) offsets(%dma_start3A_156 : memref<128xi32, #tpu.memory_space<vmem>>) semaphore(%arg18 : memref<!tpu.dma_semaphore, #tpu.memory_space<semaphore_mem>>)
    %dma_wait3A = arith.constant 0 : i32
    %dma_wait3A_160 = arith.constant 0 : i32
    %dma_wait3A_161 = arith.constant 0 : i32
    %dma_wait3A_162 = tpu.memref_slice %arg12[%dma_wait3A_160, %dma_wait3A_161] : memref<512x16xf32, #tpu.memory_space<vmem>> -> memref<128x16xf32, #tpu.memory_space<vmem>>
    %dma_wait3A_163 = arith.constant 0 : i32
    %dma_wait3A_164 = tpu.memref_slice %arg10[%dma_wait3A, %dma_wait3A_163] : memref<4x128xi32, #tpu.memory_space<vmem>> -> memref<1x128xi32, #tpu.memory_space<vmem>>
    %dma_wait3A_165 = tpu.memref_squeeze %dma_wait3A_164 : memref<1x128xi32, #tpu.memory_space<vmem>> -> memref<128xi32, #tpu.memory_space<vmem>>
    %dma_wait3A_166 = arith.constant 0 : i32
    %dma_wait3A_167 = arith.constant 0 : i32
    %dma_wait3A_168 = tpu.memref_slice %arg4[%dma_wait3A_166, %dma_wait3A_167] : memref<100000x16xf32, #tpu.memory_space<hbm>> -> memref<100000x16xf32, #tpu.memory_space<hbm>>
    tpu.wait_indirect_dma semaphore(%arg18 : memref<!tpu.dma_semaphore, #tpu.memory_space<semaphore_mem>>) src(%dma_wait3A_168 : memref<100000x16xf32, #tpu.memory_space<hbm>>) dst(%dma_wait3A_162 : memref<128x16xf32, #tpu.memory_space<vmem>>)
    %dma_wait3A_169 = arith.constant 0 : i32
    %dma_wait3A_170 = arith.constant 0 : i32
    %dma_wait3A_171 = arith.constant 0 : i32
    %dma_wait3A_172 = tpu.memref_slice %arg13[%dma_wait3A_170, %dma_wait3A_171] : memref<512x16xf32, #tpu.memory_space<vmem>> -> memref<128x16xf32, #tpu.memory_space<vmem>>
    %dma_wait3A_173 = arith.constant 0 : i32
    %dma_wait3A_174 = tpu.memref_slice %arg11[%dma_wait3A_169, %dma_wait3A_173] : memref<4x128xi32, #tpu.memory_space<vmem>> -> memref<1x128xi32, #tpu.memory_space<vmem>>
    %dma_wait3A_175 = tpu.memref_squeeze %dma_wait3A_174 : memref<1x128xi32, #tpu.memory_space<vmem>> -> memref<128xi32, #tpu.memory_space<vmem>>
    %dma_wait3A_176 = arith.constant 0 : i32
    %dma_wait3A_177 = arith.constant 0 : i32
    %dma_wait3A_178 = tpu.memref_slice %arg5[%dma_wait3A_176, %dma_wait3A_177] : memref<1000000x16xf32, #tpu.memory_space<hbm>> -> memref<1000000x16xf32, #tpu.memory_space<hbm>>
    tpu.wait_indirect_dma semaphore(%arg18 : memref<!tpu.dma_semaphore, #tpu.memory_space<semaphore_mem>>) src(%dma_wait3A_178 : memref<1000000x16xf32, #tpu.memory_space<hbm>>) dst(%dma_wait3A_172 : memref<128x16xf32, #tpu.memory_space<vmem>>)
    %dma_wait3A_179 = arith.constant 0 : i32
    %dma_wait3A_180 = arith.constant 0 : i32
    %dma_wait3A_181 = arith.constant 0 : i32
    %dma_wait3A_182 = tpu.memref_slice %arg14[%dma_wait3A_180, %dma_wait3A_181] : memref<512x16xf32, #tpu.memory_space<vmem>> -> memref<128x16xf32, #tpu.memory_space<vmem>>
    %dma_wait3A_183 = arith.constant 0 : i32
    %dma_wait3A_184 = tpu.memref_slice %arg10[%dma_wait3A_179, %dma_wait3A_183] : memref<4x128xi32, #tpu.memory_space<vmem>> -> memref<1x128xi32, #tpu.memory_space<vmem>>
    %dma_wait3A_185 = tpu.memref_squeeze %dma_wait3A_184 : memref<1x128xi32, #tpu.memory_space<vmem>> -> memref<128xi32, #tpu.memory_space<vmem>>
    %dma_wait3A_186 = arith.constant 0 : i32
    %dma_wait3A_187 = arith.constant 0 : i32
    %dma_wait3A_188 = tpu.memref_slice %arg6[%dma_wait3A_186, %dma_wait3A_187] : memref<100000x16xf32, #tpu.memory_space<hbm>> -> memref<100000x16xf32, #tpu.memory_space<hbm>>
    tpu.wait_indirect_dma semaphore(%arg18 : memref<!tpu.dma_semaphore, #tpu.memory_space<semaphore_mem>>) src(%dma_wait3A_188 : memref<100000x16xf32, #tpu.memory_space<hbm>>) dst(%dma_wait3A_182 : memref<128x16xf32, #tpu.memory_space<vmem>>)
    %dma_wait3A_189 = arith.constant 0 : i32
    %dma_wait3A_190 = arith.constant 0 : i32
    %dma_wait3A_191 = arith.constant 0 : i32
    %dma_wait3A_192 = tpu.memref_slice %arg15[%dma_wait3A_190, %dma_wait3A_191] : memref<512x16xf32, #tpu.memory_space<vmem>> -> memref<128x16xf32, #tpu.memory_space<vmem>>
    %dma_wait3A_193 = arith.constant 0 : i32
    %dma_wait3A_194 = tpu.memref_slice %arg11[%dma_wait3A_189, %dma_wait3A_193] : memref<4x128xi32, #tpu.memory_space<vmem>> -> memref<1x128xi32, #tpu.memory_space<vmem>>
    %dma_wait3A_195 = tpu.memref_squeeze %dma_wait3A_194 : memref<1x128xi32, #tpu.memory_space<vmem>> -> memref<128xi32, #tpu.memory_space<vmem>>
    %dma_wait3A_196 = arith.constant 0 : i32
    %dma_wait3A_197 = arith.constant 0 : i32
    %dma_wait3A_198 = tpu.memref_slice %arg7[%dma_wait3A_196, %dma_wait3A_197] : memref<1000000x16xf32, #tpu.memory_space<hbm>> -> memref<1000000x16xf32, #tpu.memory_space<hbm>>
    tpu.wait_indirect_dma semaphore(%arg18 : memref<!tpu.dma_semaphore, #tpu.memory_space<semaphore_mem>>) src(%dma_wait3A_198 : memref<1000000x16xf32, #tpu.memory_space<hbm>>) dst(%dma_wait3A_192 : memref<128x16xf32, #tpu.memory_space<vmem>>)
    %dma_wait3A_199 = arith.constant 1 : i32
    %dma_wait3A_200 = arith.constant 128 : i32
    %dma_wait3A_201 = arith.constant 0 : i32
    %dma_wait3A_202 = tpu.memref_slice %arg12[%dma_wait3A_200, %dma_wait3A_201] : memref<512x16xf32, #tpu.memory_space<vmem>> -> memref<128x16xf32, #tpu.memory_space<vmem>>
    %dma_wait3A_203 = arith.constant 0 : i32
    %dma_wait3A_204 = tpu.memref_slice %arg10[%dma_wait3A_199, %dma_wait3A_203] : memref<4x128xi32, #tpu.memory_space<vmem>> -> memref<1x128xi32, #tpu.memory_space<vmem>>
    %dma_wait3A_205 = tpu.memref_squeeze %dma_wait3A_204 : memref<1x128xi32, #tpu.memory_space<vmem>> -> memref<128xi32, #tpu.memory_space<vmem>>
    %dma_wait3A_206 = arith.constant 0 : i32
    %dma_wait3A_207 = arith.constant 0 : i32
    %dma_wait3A_208 = tpu.memref_slice %arg4[%dma_wait3A_206, %dma_wait3A_207] : memref<100000x16xf32, #tpu.memory_space<hbm>> -> memref<100000x16xf32, #tpu.memory_space<hbm>>
    tpu.wait_indirect_dma semaphore(%arg18 : memref<!tpu.dma_semaphore, #tpu.memory_space<semaphore_mem>>) src(%dma_wait3A_208 : memref<100000x16xf32, #tpu.memory_space<hbm>>) dst(%dma_wait3A_202 : memref<128x16xf32, #tpu.memory_space<vmem>>)
    %dma_wait3A_209 = arith.constant 1 : i32
    %dma_wait3A_210 = arith.constant 128 : i32
    %dma_wait3A_211 = arith.constant 0 : i32
    %dma_wait3A_212 = tpu.memref_slice %arg13[%dma_wait3A_210, %dma_wait3A_211] : memref<512x16xf32, #tpu.memory_space<vmem>> -> memref<128x16xf32, #tpu.memory_space<vmem>>
    %dma_wait3A_213 = arith.constant 0 : i32
    %dma_wait3A_214 = tpu.memref_slice %arg11[%dma_wait3A_209, %dma_wait3A_213] : memref<4x128xi32, #tpu.memory_space<vmem>> -> memref<1x128xi32, #tpu.memory_space<vmem>>
    %dma_wait3A_215 = tpu.memref_squeeze %dma_wait3A_214 : memref<1x128xi32, #tpu.memory_space<vmem>> -> memref<128xi32, #tpu.memory_space<vmem>>
    %dma_wait3A_216 = arith.constant 0 : i32
    %dma_wait3A_217 = arith.constant 0 : i32
    %dma_wait3A_218 = tpu.memref_slice %arg5[%dma_wait3A_216, %dma_wait3A_217] : memref<1000000x16xf32, #tpu.memory_space<hbm>> -> memref<1000000x16xf32, #tpu.memory_space<hbm>>
    tpu.wait_indirect_dma semaphore(%arg18 : memref<!tpu.dma_semaphore, #tpu.memory_space<semaphore_mem>>) src(%dma_wait3A_218 : memref<1000000x16xf32, #tpu.memory_space<hbm>>) dst(%dma_wait3A_212 : memref<128x16xf32, #tpu.memory_space<vmem>>)
    %dma_wait3A_219 = arith.constant 1 : i32
    %dma_wait3A_220 = arith.constant 128 : i32
    %dma_wait3A_221 = arith.constant 0 : i32
    %dma_wait3A_222 = tpu.memref_slice %arg14[%dma_wait3A_220, %dma_wait3A_221] : memref<512x16xf32, #tpu.memory_space<vmem>> -> memref<128x16xf32, #tpu.memory_space<vmem>>
    %dma_wait3A_223 = arith.constant 0 : i32
    %dma_wait3A_224 = tpu.memref_slice %arg10[%dma_wait3A_219, %dma_wait3A_223] : memref<4x128xi32, #tpu.memory_space<vmem>> -> memref<1x128xi32, #tpu.memory_space<vmem>>
    %dma_wait3A_225 = tpu.memref_squeeze %dma_wait3A_224 : memref<1x128xi32, #tpu.memory_space<vmem>> -> memref<128xi32, #tpu.memory_space<vmem>>
    %dma_wait3A_226 = arith.constant 0 : i32
    %dma_wait3A_227 = arith.constant 0 : i32
    %dma_wait3A_228 = tpu.memref_slice %arg6[%dma_wait3A_226, %dma_wait3A_227] : memref<100000x16xf32, #tpu.memory_space<hbm>> -> memref<100000x16xf32, #tpu.memory_space<hbm>>
    tpu.wait_indirect_dma semaphore(%arg18 : memref<!tpu.dma_semaphore, #tpu.memory_space<semaphore_mem>>) src(%dma_wait3A_228 : memref<100000x16xf32, #tpu.memory_space<hbm>>) dst(%dma_wait3A_222 : memref<128x16xf32, #tpu.memory_space<vmem>>)
    %dma_wait3A_229 = arith.constant 1 : i32
    %dma_wait3A_230 = arith.constant 128 : i32
    %dma_wait3A_231 = arith.constant 0 : i32
    %dma_wait3A_232 = tpu.memref_slice %arg15[%dma_wait3A_230, %dma_wait3A_231] : memref<512x16xf32, #tpu.memory_space<vmem>> -> memref<128x16xf32, #tpu.memory_space<vmem>>
    %dma_wait3A_233 = arith.constant 0 : i32
    %dma_wait3A_234 = tpu.memref_slice %arg11[%dma_wait3A_229, %dma_wait3A_233] : memref<4x128xi32, #tpu.memory_space<vmem>> -> memref<1x128xi32, #tpu.memory_space<vmem>>
    %dma_wait3A_235 = tpu.memref_squeeze %dma_wait3A_234 : memref<1x128xi32, #tpu.memory_space<vmem>> -> memref<128xi32, #tpu.memory_space<vmem>>
    %dma_wait3A_236 = arith.constant 0 : i32
    %dma_wait3A_237 = arith.constant 0 : i32
    %dma_wait3A_238 = tpu.memref_slice %arg7[%dma_wait3A_236, %dma_wait3A_237] : memref<1000000x16xf32, #tpu.memory_space<hbm>> -> memref<1000000x16xf32, #tpu.memory_space<hbm>>
    tpu.wait_indirect_dma semaphore(%arg18 : memref<!tpu.dma_semaphore, #tpu.memory_space<semaphore_mem>>) src(%dma_wait3A_238 : memref<1000000x16xf32, #tpu.memory_space<hbm>>) dst(%dma_wait3A_232 : memref<128x16xf32, #tpu.memory_space<vmem>>)
    %dma_wait3A_239 = arith.constant 2 : i32
    %dma_wait3A_240 = arith.constant 256 : i32
    %dma_wait3A_241 = arith.constant 0 : i32
    %dma_wait3A_242 = tpu.memref_slice %arg12[%dma_wait3A_240, %dma_wait3A_241] : memref<512x16xf32, #tpu.memory_space<vmem>> -> memref<128x16xf32, #tpu.memory_space<vmem>>
    %dma_wait3A_243 = arith.constant 0 : i32
    %dma_wait3A_244 = tpu.memref_slice %arg10[%dma_wait3A_239, %dma_wait3A_243] : memref<4x128xi32, #tpu.memory_space<vmem>> -> memref<1x128xi32, #tpu.memory_space<vmem>>
    %dma_wait3A_245 = tpu.memref_squeeze %dma_wait3A_244 : memref<1x128xi32, #tpu.memory_space<vmem>> -> memref<128xi32, #tpu.memory_space<vmem>>
    %dma_wait3A_246 = arith.constant 0 : i32
    %dma_wait3A_247 = arith.constant 0 : i32
    %dma_wait3A_248 = tpu.memref_slice %arg4[%dma_wait3A_246, %dma_wait3A_247] : memref<100000x16xf32, #tpu.memory_space<hbm>> -> memref<100000x16xf32, #tpu.memory_space<hbm>>
    tpu.wait_indirect_dma semaphore(%arg18 : memref<!tpu.dma_semaphore, #tpu.memory_space<semaphore_mem>>) src(%dma_wait3A_248 : memref<100000x16xf32, #tpu.memory_space<hbm>>) dst(%dma_wait3A_242 : memref<128x16xf32, #tpu.memory_space<vmem>>)
    %dma_wait3A_249 = arith.constant 2 : i32
    %dma_wait3A_250 = arith.constant 256 : i32
    %dma_wait3A_251 = arith.constant 0 : i32
    %dma_wait3A_252 = tpu.memref_slice %arg13[%dma_wait3A_250, %dma_wait3A_251] : memref<512x16xf32, #tpu.memory_space<vmem>> -> memref<128x16xf32, #tpu.memory_space<vmem>>
    %dma_wait3A_253 = arith.constant 0 : i32
    %dma_wait3A_254 = tpu.memref_slice %arg11[%dma_wait3A_249, %dma_wait3A_253] : memref<4x128xi32, #tpu.memory_space<vmem>> -> memref<1x128xi32, #tpu.memory_space<vmem>>
    %dma_wait3A_255 = tpu.memref_squeeze %dma_wait3A_254 : memref<1x128xi32, #tpu.memory_space<vmem>> -> memref<128xi32, #tpu.memory_space<vmem>>
    %dma_wait3A_256 = arith.constant 0 : i32
    %dma_wait3A_257 = arith.constant 0 : i32
    %dma_wait3A_258 = tpu.memref_slice %arg5[%dma_wait3A_256, %dma_wait3A_257] : memref<1000000x16xf32, #tpu.memory_space<hbm>> -> memref<1000000x16xf32, #tpu.memory_space<hbm>>
    tpu.wait_indirect_dma semaphore(%arg18 : memref<!tpu.dma_semaphore, #tpu.memory_space<semaphore_mem>>) src(%dma_wait3A_258 : memref<1000000x16xf32, #tpu.memory_space<hbm>>) dst(%dma_wait3A_252 : memref<128x16xf32, #tpu.memory_space<vmem>>)
    %dma_wait3A_259 = arith.constant 2 : i32
    %dma_wait3A_260 = arith.constant 256 : i32
    %dma_wait3A_261 = arith.constant 0 : i32
    %dma_wait3A_262 = tpu.memref_slice %arg14[%dma_wait3A_260, %dma_wait3A_261] : memref<512x16xf32, #tpu.memory_space<vmem>> -> memref<128x16xf32, #tpu.memory_space<vmem>>
    %dma_wait3A_263 = arith.constant 0 : i32
    %dma_wait3A_264 = tpu.memref_slice %arg10[%dma_wait3A_259, %dma_wait3A_263] : memref<4x128xi32, #tpu.memory_space<vmem>> -> memref<1x128xi32, #tpu.memory_space<vmem>>
    %dma_wait3A_265 = tpu.memref_squeeze %dma_wait3A_264 : memref<1x128xi32, #tpu.memory_space<vmem>> -> memref<128xi32, #tpu.memory_space<vmem>>
    %dma_wait3A_266 = arith.constant 0 : i32
    %dma_wait3A_267 = arith.constant 0 : i32
    %dma_wait3A_268 = tpu.memref_slice %arg6[%dma_wait3A_266, %dma_wait3A_267] : memref<100000x16xf32, #tpu.memory_space<hbm>> -> memref<100000x16xf32, #tpu.memory_space<hbm>>
    tpu.wait_indirect_dma semaphore(%arg18 : memref<!tpu.dma_semaphore, #tpu.memory_space<semaphore_mem>>) src(%dma_wait3A_268 : memref<100000x16xf32, #tpu.memory_space<hbm>>) dst(%dma_wait3A_262 : memref<128x16xf32, #tpu.memory_space<vmem>>)
    %dma_wait3A_269 = arith.constant 2 : i32
    %dma_wait3A_270 = arith.constant 256 : i32
    %dma_wait3A_271 = arith.constant 0 : i32
    %dma_wait3A_272 = tpu.memref_slice %arg15[%dma_wait3A_270, %dma_wait3A_271] : memref<512x16xf32, #tpu.memory_space<vmem>> -> memref<128x16xf32, #tpu.memory_space<vmem>>
    %dma_wait3A_273 = arith.constant 0 : i32
    %dma_wait3A_274 = tpu.memref_slice %arg11[%dma_wait3A_269, %dma_wait3A_273] : memref<4x128xi32, #tpu.memory_space<vmem>> -> memref<1x128xi32, #tpu.memory_space<vmem>>
    %dma_wait3A_275 = tpu.memref_squeeze %dma_wait3A_274 : memref<1x128xi32, #tpu.memory_space<vmem>> -> memref<128xi32, #tpu.memory_space<vmem>>
    %dma_wait3A_276 = arith.constant 0 : i32
    %dma_wait3A_277 = arith.constant 0 : i32
    %dma_wait3A_278 = tpu.memref_slice %arg7[%dma_wait3A_276, %dma_wait3A_277] : memref<1000000x16xf32, #tpu.memory_space<hbm>> -> memref<1000000x16xf32, #tpu.memory_space<hbm>>
    tpu.wait_indirect_dma semaphore(%arg18 : memref<!tpu.dma_semaphore, #tpu.memory_space<semaphore_mem>>) src(%dma_wait3A_278 : memref<1000000x16xf32, #tpu.memory_space<hbm>>) dst(%dma_wait3A_272 : memref<128x16xf32, #tpu.memory_space<vmem>>)
    %dma_wait3A_279 = arith.constant 3 : i32
    %dma_wait3A_280 = arith.constant 384 : i32
    %dma_wait3A_281 = arith.constant 0 : i32
    %dma_wait3A_282 = tpu.memref_slice %arg12[%dma_wait3A_280, %dma_wait3A_281] : memref<512x16xf32, #tpu.memory_space<vmem>> -> memref<128x16xf32, #tpu.memory_space<vmem>>
    %dma_wait3A_283 = arith.constant 0 : i32
    %dma_wait3A_284 = tpu.memref_slice %arg10[%dma_wait3A_279, %dma_wait3A_283] : memref<4x128xi32, #tpu.memory_space<vmem>> -> memref<1x128xi32, #tpu.memory_space<vmem>>
    %dma_wait3A_285 = tpu.memref_squeeze %dma_wait3A_284 : memref<1x128xi32, #tpu.memory_space<vmem>> -> memref<128xi32, #tpu.memory_space<vmem>>
    %dma_wait3A_286 = arith.constant 0 : i32
    %dma_wait3A_287 = arith.constant 0 : i32
    %dma_wait3A_288 = tpu.memref_slice %arg4[%dma_wait3A_286, %dma_wait3A_287] : memref<100000x16xf32, #tpu.memory_space<hbm>> -> memref<100000x16xf32, #tpu.memory_space<hbm>>
    tpu.wait_indirect_dma semaphore(%arg18 : memref<!tpu.dma_semaphore, #tpu.memory_space<semaphore_mem>>) src(%dma_wait3A_288 : memref<100000x16xf32, #tpu.memory_space<hbm>>) dst(%dma_wait3A_282 : memref<128x16xf32, #tpu.memory_space<vmem>>)
    %dma_wait3A_289 = arith.constant 3 : i32
    %dma_wait3A_290 = arith.constant 384 : i32
    %dma_wait3A_291 = arith.constant 0 : i32
    %dma_wait3A_292 = tpu.memref_slice %arg13[%dma_wait3A_290, %dma_wait3A_291] : memref<512x16xf32, #tpu.memory_space<vmem>> -> memref<128x16xf32, #tpu.memory_space<vmem>>
    %dma_wait3A_293 = arith.constant 0 : i32
    %dma_wait3A_294 = tpu.memref_slice %arg11[%dma_wait3A_289, %dma_wait3A_293] : memref<4x128xi32, #tpu.memory_space<vmem>> -> memref<1x128xi32, #tpu.memory_space<vmem>>
    %dma_wait3A_295 = tpu.memref_squeeze %dma_wait3A_294 : memref<1x128xi32, #tpu.memory_space<vmem>> -> memref<128xi32, #tpu.memory_space<vmem>>
    %dma_wait3A_296 = arith.constant 0 : i32
    %dma_wait3A_297 = arith.constant 0 : i32
    %dma_wait3A_298 = tpu.memref_slice %arg5[%dma_wait3A_296, %dma_wait3A_297] : memref<1000000x16xf32, #tpu.memory_space<hbm>> -> memref<1000000x16xf32, #tpu.memory_space<hbm>>
    tpu.wait_indirect_dma semaphore(%arg18 : memref<!tpu.dma_semaphore, #tpu.memory_space<semaphore_mem>>) src(%dma_wait3A_298 : memref<1000000x16xf32, #tpu.memory_space<hbm>>) dst(%dma_wait3A_292 : memref<128x16xf32, #tpu.memory_space<vmem>>)
    %dma_wait3A_299 = arith.constant 3 : i32
    %dma_wait3A_300 = arith.constant 384 : i32
    %dma_wait3A_301 = arith.constant 0 : i32
    %dma_wait3A_302 = tpu.memref_slice %arg14[%dma_wait3A_300, %dma_wait3A_301] : memref<512x16xf32, #tpu.memory_space<vmem>> -> memref<128x16xf32, #tpu.memory_space<vmem>>
    %dma_wait3A_303 = arith.constant 0 : i32
    %dma_wait3A_304 = tpu.memref_slice %arg10[%dma_wait3A_299, %dma_wait3A_303] : memref<4x128xi32, #tpu.memory_space<vmem>> -> memref<1x128xi32, #tpu.memory_space<vmem>>
    %dma_wait3A_305 = tpu.memref_squeeze %dma_wait3A_304 : memref<1x128xi32, #tpu.memory_space<vmem>> -> memref<128xi32, #tpu.memory_space<vmem>>
    %dma_wait3A_306 = arith.constant 0 : i32
    %dma_wait3A_307 = arith.constant 0 : i32
    %dma_wait3A_308 = tpu.memref_slice %arg6[%dma_wait3A_306, %dma_wait3A_307] : memref<100000x16xf32, #tpu.memory_space<hbm>> -> memref<100000x16xf32, #tpu.memory_space<hbm>>
    tpu.wait_indirect_dma semaphore(%arg18 : memref<!tpu.dma_semaphore, #tpu.memory_space<semaphore_mem>>) src(%dma_wait3A_308 : memref<100000x16xf32, #tpu.memory_space<hbm>>) dst(%dma_wait3A_302 : memref<128x16xf32, #tpu.memory_space<vmem>>)
    %dma_wait3A_309 = arith.constant 3 : i32
    %dma_wait3A_310 = arith.constant 384 : i32
    %dma_wait3A_311 = arith.constant 0 : i32
    %dma_wait3A_312 = tpu.memref_slice %arg15[%dma_wait3A_310, %dma_wait3A_311] : memref<512x16xf32, #tpu.memory_space<vmem>> -> memref<128x16xf32, #tpu.memory_space<vmem>>
    %dma_wait3A_313 = arith.constant 0 : i32
    %dma_wait3A_314 = tpu.memref_slice %arg11[%dma_wait3A_309, %dma_wait3A_313] : memref<4x128xi32, #tpu.memory_space<vmem>> -> memref<1x128xi32, #tpu.memory_space<vmem>>
    %dma_wait3A_315 = tpu.memref_squeeze %dma_wait3A_314 : memref<1x128xi32, #tpu.memory_space<vmem>> -> memref<128xi32, #tpu.memory_space<vmem>>
    %dma_wait3A_316 = arith.constant 0 : i32
    %dma_wait3A_317 = arith.constant 0 : i32
    %dma_wait3A_318 = tpu.memref_slice %arg7[%dma_wait3A_316, %dma_wait3A_317] : memref<1000000x16xf32, #tpu.memory_space<hbm>> -> memref<1000000x16xf32, #tpu.memory_space<hbm>>
    tpu.wait_indirect_dma semaphore(%arg18 : memref<!tpu.dma_semaphore, #tpu.memory_space<semaphore_mem>>) src(%dma_wait3A_318 : memref<1000000x16xf32, #tpu.memory_space<hbm>>) dst(%dma_wait3A_312 : memref<128x16xf32, #tpu.memory_space<vmem>>)
    %get3A = arith.constant 0 : index
    %get3A_319 = tpu.vector_load %arg16[%get3A] {strides = array<i32>} : memref<48xf32, #tpu.memory_space<vmem>>, vector<16xf32>,
    %get3A_320 = arith.constant 16 : index
    %get3A_321 = tpu.vector_load %arg16[%get3A_320] {strides = array<i32>} : memref<48xf32, #tpu.memory_space<vmem>>, vector<16xf32>,
    %get3A_322 = arith.constant 32 : index
    %get3A_323 = tpu.vector_load %arg16[%get3A_322] {strides = array<i32>} : memref<48xf32, #tpu.memory_space<vmem>>, vector<16xf32>,
    %iota3A = tpu.iota {dimensions = array<i32: 0>} : vector<16xi32>
    %scan3A = arith.constant 0 : i32
    %scan3A_324 = arith.constant 0 : i32
    %scan3A_325 = arith.constant 32 : i32
    %scan3A_326 = arith.addi %scan3A_324, %scan3A_325 : i32
    %scan3A_327 = arith.constant 1 : i32
    scf.for %scan3A_331 = %scan3A_324 to %scan3A_326 step %scan3A_327  : i32 {
      %mul3A_332 = arith.constant 16 : i32
      %mul3A_333 = arith.muli %scan3A_331, %mul3A_332 : i32
      %broadcast_in_dim3A = arith.constant 0.000000e+00 : f32
      %broadcast_in_dim3A_334 = vector.broadcast %broadcast_in_dim3A : f32 to vector<16xf32>
      %add3A_335 = arith.constant 0 : i32
      %add3A_336 = arith.addi %mul3A_333, %add3A_335 : i32
      %get3A_337 = arith.index_cast %add3A_336 : i32 to index
      %get3A_338 = arith.constant 0 : index
      %get3A_339 = tpu.vector_load %arg12[%get3A_337, %get3A_338] {strides = array<i32>} : memref<512x16xf32, #tpu.memory_space<vmem>>, vector<16xf32>,
      %get3A_340 = arith.index_cast %add3A_336 : i32 to index
      %get3A_341 = arith.constant 0 : index
      %get3A_342 = tpu.vector_load %arg13[%get3A_340, %get3A_341] {strides = array<i32>} : memref<512x16xf32, #tpu.memory_space<vmem>>, vector<16xf32>,
      %mul3A_343 = arith.mulf %get3A_339, %get3A_342 : vector<16xf32>
      %mul3A_344 = arith.mulf %mul3A_343, %get3A_319 : vector<16xf32>
      %get3A_345 = arith.index_cast %add3A_336 : i32 to index
      %get3A_346 = arith.constant 0 : index
      %get3A_347 = tpu.vector_load %arg14[%get3A_345, %get3A_346] {strides = array<i32>} : memref<512x16xf32, #tpu.memory_space<vmem>>, vector<16xf32>,
      %get3A_348 = arith.index_cast %add3A_336 : i32 to index
      %get3A_349 = arith.constant 0 : index
      %get3A_350 = tpu.vector_load %arg15[%get3A_348, %get3A_349] {strides = array<i32>} : memref<512x16xf32, #tpu.memory_space<vmem>>, vector<16xf32>,
      %mul3A_351 = arith.mulf %get3A_347, %get3A_350 : vector<16xf32>
      %mul3A_352 = arith.mulf %mul3A_351, %get3A_321 : vector<16xf32>
      %add3A_353 = arith.addf %mul3A_344, %mul3A_352 : vector<16xf32>
      %eq3A = arith.constant 0 : i32
      %eq3A_354 = vector.broadcast %eq3A : i32 to vector<16xi32>
      %eq3A_355 = arith.cmpi eq, %iota3A, %eq3A_354 : vector<16xi32>
      %reduce_sum3A = arith.constant true
      %reduce_sum3A_356 = vector.broadcast %reduce_sum3A : i1 to vector<16xi1>
      %reduce_sum3A_357 = tpu.scan <sum>, %add3A_353 masked %reduce_sum3A_356 : vector<16xf32>, vector<16xi1> -> vector<16xf32>
      %reduce_sum3A_358 = vector.extract %reduce_sum3A_357[15] : f32 from vector<16xf32>
      %broadcast_in_dim3A_359 = vector.broadcast %reduce_sum3A_358 : f32 to vector<16xf32>
      %select_n3A = arith.select %eq3A_355, %broadcast_in_dim3A_359, %broadcast_in_dim3A_334 : vector<16xi1>, vector<16xf32>
      %add3A_360 = arith.constant 1 : i32
      %add3A_361 = arith.addi %mul3A_333, %add3A_360 : i32
      %get3A_362 = arith.index_cast %add3A_361 : i32 to index
      %get3A_363 = arith.constant 0 : index
      %get3A_364 = tpu.vector_load %arg12[%get3A_362, %get3A_363] {strides = array<i32>} : memref<512x16xf32, #tpu.memory_space<vmem>>, vector<16xf32>,
      %get3A_365 = arith.index_cast %add3A_361 : i32 to index
      %get3A_366 = arith.constant 0 : index
      %get3A_367 = tpu.vector_load %arg13[%get3A_365, %get3A_366] {strides = array<i32>} : memref<512x16xf32, #tpu.memory_space<vmem>>, vector<16xf32>,
      %mul3A_368 = arith.mulf %get3A_364, %get3A_367 : vector<16xf32>
      %mul3A_369 = arith.mulf %mul3A_368, %get3A_319 : vector<16xf32>
      %get3A_370 = arith.index_cast %add3A_361 : i32 to index
      %get3A_371 = arith.constant 0 : index
      %get3A_372 = tpu.vector_load %arg14[%get3A_370, %get3A_371] {strides = array<i32>} : memref<512x16xf32, #tpu.memory_space<vmem>>, vector<16xf32>,
      %get3A_373 = arith.index_cast %add3A_361 : i32 to index
      %get3A_374 = arith.constant 0 : index
      %get3A_375 = tpu.vector_load %arg15[%get3A_373, %get3A_374] {strides = array<i32>} : memref<512x16xf32, #tpu.memory_space<vmem>>, vector<16xf32>,
      %mul3A_376 = arith.mulf %get3A_372, %get3A_375 : vector<16xf32>
      %mul3A_377 = arith.mulf %mul3A_376, %get3A_321 : vector<16xf32>
      %add3A_378 = arith.addf %mul3A_369, %mul3A_377 : vector<16xf32>
      %eq3A_379 = arith.constant 1 : i32
      %eq3A_380 = vector.broadcast %eq3A_379 : i32 to vector<16xi32>
      %eq3A_381 = arith.cmpi eq, %iota3A, %eq3A_380 : vector<16xi32>
      %reduce_sum3A_382 = arith.constant true
      %reduce_sum3A_383 = vector.broadcast %reduce_sum3A_382 : i1 to vector<16xi1>
      %reduce_sum3A_384 = tpu.scan <sum>, %add3A_378 masked %reduce_sum3A_383 : vector<16xf32>, vector<16xi1> -> vector<16xf32>
      %reduce_sum3A_385 = vector.extract %reduce_sum3A_384[15] : f32 from vector<16xf32>
      %broadcast_in_dim3A_386 = vector.broadcast %reduce_sum3A_385 : f32 to vector<16xf32>
      %select_n3A_387 = arith.select %eq3A_381, %broadcast_in_dim3A_386, %select_n3A : vector<16xi1>, vector<16xf32>
      %add3A_388 = arith.constant 2 : i32
      %add3A_389 = arith.addi %mul3A_333, %add3A_388 : i32
      %get3A_390 = arith.index_cast %add3A_389 : i32 to index
      %get3A_391 = arith.constant 0 : index
      %get3A_392 = tpu.vector_load %arg12[%get3A_390, %get3A_391] {strides = array<i32>} : memref<512x16xf32, #tpu.memory_space<vmem>>, vector<16xf32>,
      %get3A_393 = arith.index_cast %add3A_389 : i32 to index
      %get3A_394 = arith.constant 0 : index
      %get3A_395 = tpu.vector_load %arg13[%get3A_393, %get3A_394] {strides = array<i32>} : memref<512x16xf32, #tpu.memory_space<vmem>>, vector<16xf32>,
      %mul3A_396 = arith.mulf %get3A_392, %get3A_395 : vector<16xf32>
      %mul3A_397 = arith.mulf %mul3A_396, %get3A_319 : vector<16xf32>
      %get3A_398 = arith.index_cast %add3A_389 : i32 to index
      %get3A_399 = arith.constant 0 : index
      %get3A_400 = tpu.vector_load %arg14[%get3A_398, %get3A_399] {strides = array<i32>} : memref<512x16xf32, #tpu.memory_space<vmem>>, vector<16xf32>,
      %get3A_401 = arith.index_cast %add3A_389 : i32 to index
      %get3A_402 = arith.constant 0 : index
      %get3A_403 = tpu.vector_load %arg15[%get3A_401, %get3A_402] {strides = array<i32>} : memref<512x16xf32, #tpu.memory_space<vmem>>, vector<16xf32>,
      %mul3A_404 = arith.mulf %get3A_400, %get3A_403 : vector<16xf32>
      %mul3A_405 = arith.mulf %mul3A_404, %get3A_321 : vector<16xf32>
      %add3A_406 = arith.addf %mul3A_397, %mul3A_405 : vector<16xf32>
      %eq3A_407 = arith.constant 2 : i32
      %eq3A_408 = vector.broadcast %eq3A_407 : i32 to vector<16xi32>
      %eq3A_409 = arith.cmpi eq, %iota3A, %eq3A_408 : vector<16xi32>
      %reduce_sum3A_410 = arith.constant true
      %reduce_sum3A_411 = vector.broadcast %reduce_sum3A_410 : i1 to vector<16xi1>
      %reduce_sum3A_412 = tpu.scan <sum>, %add3A_406 masked %reduce_sum3A_411 : vector<16xf32>, vector<16xi1> -> vector<16xf32>
      %reduce_sum3A_413 = vector.extract %reduce_sum3A_412[15] : f32 from vector<16xf32>
      %broadcast_in_dim3A_414 = vector.broadcast %reduce_sum3A_413 : f32 to vector<16xf32>
      %select_n3A_415 = arith.select %eq3A_409, %broadcast_in_dim3A_414, %select_n3A_387 : vector<16xi1>, vector<16xf32>
      %add3A_416 = arith.constant 3 : i32
      %add3A_417 = arith.addi %mul3A_333, %add3A_416 : i32
      %get3A_418 = arith.index_cast %add3A_417 : i32 to index
      %get3A_419 = arith.constant 0 : index
      %get3A_420 = tpu.vector_load %arg12[%get3A_418, %get3A_419] {strides = array<i32>} : memref<512x16xf32, #tpu.memory_space<vmem>>, vector<16xf32>,
      %get3A_421 = arith.index_cast %add3A_417 : i32 to index
      %get3A_422 = arith.constant 0 : index
      %get3A_423 = tpu.vector_load %arg13[%get3A_421, %get3A_422] {strides = array<i32>} : memref<512x16xf32, #tpu.memory_space<vmem>>, vector<16xf32>,
      %mul3A_424 = arith.mulf %get3A_420, %get3A_423 : vector<16xf32>
      %mul3A_425 = arith.mulf %mul3A_424, %get3A_319 : vector<16xf32>
      %get3A_426 = arith.index_cast %add3A_417 : i32 to index
      %get3A_427 = arith.constant 0 : index
      %get3A_428 = tpu.vector_load %arg14[%get3A_426, %get3A_427] {strides = array<i32>} : memref<512x16xf32, #tpu.memory_space<vmem>>, vector<16xf32>,
      %get3A_429 = arith.index_cast %add3A_417 : i32 to index
      %get3A_430 = arith.constant 0 : index
      %get3A_431 = tpu.vector_load %arg15[%get3A_429, %get3A_430] {strides = array<i32>} : memref<512x16xf32, #tpu.memory_space<vmem>>, vector<16xf32>,
      %mul3A_432 = arith.mulf %get3A_428, %get3A_431 : vector<16xf32>
      %mul3A_433 = arith.mulf %mul3A_432, %get3A_321 : vector<16xf32>
      %add3A_434 = arith.addf %mul3A_425, %mul3A_433 : vector<16xf32>
      %eq3A_435 = arith.constant 3 : i32
      %eq3A_436 = vector.broadcast %eq3A_435 : i32 to vector<16xi32>
      %eq3A_437 = arith.cmpi eq, %iota3A, %eq3A_436 : vector<16xi32>
      %reduce_sum3A_438 = arith.constant true
      %reduce_sum3A_439 = vector.broadcast %reduce_sum3A_438 : i1 to vector<16xi1>
      %reduce_sum3A_440 = tpu.scan <sum>, %add3A_434 masked %reduce_sum3A_439 : vector<16xf32>, vector<16xi1> -> vector<16xf32>
      %reduce_sum3A_441 = vector.extract %reduce_sum3A_440[15] : f32 from vector<16xf32>
      %broadcast_in_dim3A_442 = vector.broadcast %reduce_sum3A_441 : f32 to vector<16xf32>
      %select_n3A_443 = arith.select %eq3A_437, %broadcast_in_dim3A_442, %select_n3A_415 : vector<16xi1>, vector<16xf32>
      %add3A_444 = arith.constant 4 : i32
      %add3A_445 = arith.addi %mul3A_333, %add3A_444 : i32
      %get3A_446 = arith.index_cast %add3A_445 : i32 to index
      %get3A_447 = arith.constant 0 : index
      %get3A_448 = tpu.vector_load %arg12[%get3A_446, %get3A_447] {strides = array<i32>} : memref<512x16xf32, #tpu.memory_space<vmem>>, vector<16xf32>,
      %get3A_449 = arith.index_cast %add3A_445 : i32 to index
      %get3A_450 = arith.constant 0 : index
      %get3A_451 = tpu.vector_load %arg13[%get3A_449, %get3A_450] {strides = array<i32>} : memref<512x16xf32, #tpu.memory_space<vmem>>, vector<16xf32>,
      %mul3A_452 = arith.mulf %get3A_448, %get3A_451 : vector<16xf32>
      %mul3A_453 = arith.mulf %mul3A_452, %get3A_319 : vector<16xf32>
      %get3A_454 = arith.index_cast %add3A_445 : i32 to index
      %get3A_455 = arith.constant 0 : index
      %get3A_456 = tpu.vector_load %arg14[%get3A_454, %get3A_455] {strides = array<i32>} : memref<512x16xf32, #tpu.memory_space<vmem>>, vector<16xf32>,
      %get3A_457 = arith.index_cast %add3A_445 : i32 to index
      %get3A_458 = arith.constant 0 : index
      %get3A_459 = tpu.vector_load %arg15[%get3A_457, %get3A_458] {strides = array<i32>} : memref<512x16xf32, #tpu.memory_space<vmem>>, vector<16xf32>,
      %mul3A_460 = arith.mulf %get3A_456, %get3A_459 : vector<16xf32>
      %mul3A_461 = arith.mulf %mul3A_460, %get3A_321 : vector<16xf32>
      %add3A_462 = arith.addf %mul3A_453, %mul3A_461 : vector<16xf32>
      %eq3A_463 = arith.constant 4 : i32
      %eq3A_464 = vector.broadcast %eq3A_463 : i32 to vector<16xi32>
      %eq3A_465 = arith.cmpi eq, %iota3A, %eq3A_464 : vector<16xi32>
      %reduce_sum3A_466 = arith.constant true
      %reduce_sum3A_467 = vector.broadcast %reduce_sum3A_466 : i1 to vector<16xi1>
      %reduce_sum3A_468 = tpu.scan <sum>, %add3A_462 masked %reduce_sum3A_467 : vector<16xf32>, vector<16xi1> -> vector<16xf32>
      %reduce_sum3A_469 = vector.extract %reduce_sum3A_468[15] : f32 from vector<16xf32>
      %broadcast_in_dim3A_470 = vector.broadcast %reduce_sum3A_469 : f32 to vector<16xf32>
      %select_n3A_471 = arith.select %eq3A_465, %broadcast_in_dim3A_470, %select_n3A_443 : vector<16xi1>, vector<16xf32>
      %add3A_472 = arith.constant 5 : i32
      %add3A_473 = arith.addi %mul3A_333, %add3A_472 : i32
      %get3A_474 = arith.index_cast %add3A_473 : i32 to index
      %get3A_475 = arith.constant 0 : index
      %get3A_476 = tpu.vector_load %arg12[%get3A_474, %get3A_475] {strides = array<i32>} : memref<512x16xf32, #tpu.memory_space<vmem>>, vector<16xf32>,
      %get3A_477 = arith.index_cast %add3A_473 : i32 to index
      %get3A_478 = arith.constant 0 : index
      %get3A_479 = tpu.vector_load %arg13[%get3A_477, %get3A_478] {strides = array<i32>} : memref<512x16xf32, #tpu.memory_space<vmem>>, vector<16xf32>,
      %mul3A_480 = arith.mulf %get3A_476, %get3A_479 : vector<16xf32>
      %mul3A_481 = arith.mulf %mul3A_480, %get3A_319 : vector<16xf32>
      %get3A_482 = arith.index_cast %add3A_473 : i32 to index
      %get3A_483 = arith.constant 0 : index
      %get3A_484 = tpu.vector_load %arg14[%get3A_482, %get3A_483] {strides = array<i32>} : memref<512x16xf32, #tpu.memory_space<vmem>>, vector<16xf32>,
      %get3A_485 = arith.index_cast %add3A_473 : i32 to index
      %get3A_486 = arith.constant 0 : index
      %get3A_487 = tpu.vector_load %arg15[%get3A_485, %get3A_486] {strides = array<i32>} : memref<512x16xf32, #tpu.memory_space<vmem>>, vector<16xf32>,
      %mul3A_488 = arith.mulf %get3A_484, %get3A_487 : vector<16xf32>
      %mul3A_489 = arith.mulf %mul3A_488, %get3A_321 : vector<16xf32>
      %add3A_490 = arith.addf %mul3A_481, %mul3A_489 : vector<16xf32>
      %eq3A_491 = arith.constant 5 : i32
      %eq3A_492 = vector.broadcast %eq3A_491 : i32 to vector<16xi32>
      %eq3A_493 = arith.cmpi eq, %iota3A, %eq3A_492 : vector<16xi32>
      %reduce_sum3A_494 = arith.constant true
      %reduce_sum3A_495 = vector.broadcast %reduce_sum3A_494 : i1 to vector<16xi1>
      %reduce_sum3A_496 = tpu.scan <sum>, %add3A_490 masked %reduce_sum3A_495 : vector<16xf32>, vector<16xi1> -> vector<16xf32>
      %reduce_sum3A_497 = vector.extract %reduce_sum3A_496[15] : f32 from vector<16xf32>
      %broadcast_in_dim3A_498 = vector.broadcast %reduce_sum3A_497 : f32 to vector<16xf32>
      %select_n3A_499 = arith.select %eq3A_493, %broadcast_in_dim3A_498, %select_n3A_471 : vector<16xi1>, vector<16xf32>
      %add3A_500 = arith.constant 6 : i32
      %add3A_501 = arith.addi %mul3A_333, %add3A_500 : i32
      %get3A_502 = arith.index_cast %add3A_501 : i32 to index
      %get3A_503 = arith.constant 0 : index
      %get3A_504 = tpu.vector_load %arg12[%get3A_502, %get3A_503] {strides = array<i32>} : memref<512x16xf32, #tpu.memory_space<vmem>>, vector<16xf32>,
      %get3A_505 = arith.index_cast %add3A_501 : i32 to index
      %get3A_506 = arith.constant 0 : index
      %get3A_507 = tpu.vector_load %arg13[%get3A_505, %get3A_506] {strides = array<i32>} : memref<512x16xf32, #tpu.memory_space<vmem>>, vector<16xf32>,
      %mul3A_508 = arith.mulf %get3A_504, %get3A_507 : vector<16xf32>
      %mul3A_509 = arith.mulf %mul3A_508, %get3A_319 : vector<16xf32>
      %get3A_510 = arith.index_cast %add3A_501 : i32 to index
      %get3A_511 = arith.constant 0 : index
      %get3A_512 = tpu.vector_load %arg14[%get3A_510, %get3A_511] {strides = array<i32>} : memref<512x16xf32, #tpu.memory_space<vmem>>, vector<16xf32>,
      %get3A_513 = arith.index_cast %add3A_501 : i32 to index
      %get3A_514 = arith.constant 0 : index
      %get3A_515 = tpu.vector_load %arg15[%get3A_513, %get3A_514] {strides = array<i32>} : memref<512x16xf32, #tpu.memory_space<vmem>>, vector<16xf32>,
      %mul3A_516 = arith.mulf %get3A_512, %get3A_515 : vector<16xf32>
      %mul3A_517 = arith.mulf %mul3A_516, %get3A_321 : vector<16xf32>
      %add3A_518 = arith.addf %mul3A_509, %mul3A_517 : vector<16xf32>
      %eq3A_519 = arith.constant 6 : i32
      %eq3A_520 = vector.broadcast %eq3A_519 : i32 to vector<16xi32>
      %eq3A_521 = arith.cmpi eq, %iota3A, %eq3A_520 : vector<16xi32>
      %reduce_sum3A_522 = arith.constant true
      %reduce_sum3A_523 = vector.broadcast %reduce_sum3A_522 : i1 to vector<16xi1>
      %reduce_sum3A_524 = tpu.scan <sum>, %add3A_518 masked %reduce_sum3A_523 : vector<16xf32>, vector<16xi1> -> vector<16xf32>
      %reduce_sum3A_525 = vector.extract %reduce_sum3A_524[15] : f32 from vector<16xf32>
      %broadcast_in_dim3A_526 = vector.broadcast %reduce_sum3A_525 : f32 to vector<16xf32>
      %select_n3A_527 = arith.select %eq3A_521, %broadcast_in_dim3A_526, %select_n3A_499 : vector<16xi1>, vector<16xf32>
      %add3A_528 = arith.constant 7 : i32
      %add3A_529 = arith.addi %mul3A_333, %add3A_528 : i32
      %get3A_530 = arith.index_cast %add3A_529 : i32 to index
      %get3A_531 = arith.constant 0 : index
      %get3A_532 = tpu.vector_load %arg12[%get3A_530, %get3A_531] {strides = array<i32>} : memref<512x16xf32, #tpu.memory_space<vmem>>, vector<16xf32>,
      %get3A_533 = arith.index_cast %add3A_529 : i32 to index
      %get3A_534 = arith.constant 0 : index
      %get3A_535 = tpu.vector_load %arg13[%get3A_533, %get3A_534] {strides = array<i32>} : memref<512x16xf32, #tpu.memory_space<vmem>>, vector<16xf32>,
      %mul3A_536 = arith.mulf %get3A_532, %get3A_535 : vector<16xf32>
      %mul3A_537 = arith.mulf %mul3A_536, %get3A_319 : vector<16xf32>
      %get3A_538 = arith.index_cast %add3A_529 : i32 to index
      %get3A_539 = arith.constant 0 : index
      %get3A_540 = tpu.vector_load %arg14[%get3A_538, %get3A_539] {strides = array<i32>} : memref<512x16xf32, #tpu.memory_space<vmem>>, vector<16xf32>,
      %get3A_541 = arith.index_cast %add3A_529 : i32 to index
      %get3A_542 = arith.constant 0 : index
      %get3A_543 = tpu.vector_load %arg15[%get3A_541, %get3A_542] {strides = array<i32>} : memref<512x16xf32, #tpu.memory_space<vmem>>, vector<16xf32>,
      %mul3A_544 = arith.mulf %get3A_540, %get3A_543 : vector<16xf32>
      %mul3A_545 = arith.mulf %mul3A_544, %get3A_321 : vector<16xf32>
      %add3A_546 = arith.addf %mul3A_537, %mul3A_545 : vector<16xf32>
      %eq3A_547 = arith.constant 7 : i32
      %eq3A_548 = vector.broadcast %eq3A_547 : i32 to vector<16xi32>
      %eq3A_549 = arith.cmpi eq, %iota3A, %eq3A_548 : vector<16xi32>
      %reduce_sum3A_550 = arith.constant true
      %reduce_sum3A_551 = vector.broadcast %reduce_sum3A_550 : i1 to vector<16xi1>
      %reduce_sum3A_552 = tpu.scan <sum>, %add3A_546 masked %reduce_sum3A_551 : vector<16xf32>, vector<16xi1> -> vector<16xf32>
      %reduce_sum3A_553 = vector.extract %reduce_sum3A_552[15] : f32 from vector<16xf32>
      %broadcast_in_dim3A_554 = vector.broadcast %reduce_sum3A_553 : f32 to vector<16xf32>
      %select_n3A_555 = arith.select %eq3A_549, %broadcast_in_dim3A_554, %select_n3A_527 : vector<16xi1>, vector<16xf32>
      %add3A_556 = arith.constant 8 : i32
      %add3A_557 = arith.addi %mul3A_333, %add3A_556 : i32
      %get3A_558 = arith.index_cast %add3A_557 : i32 to index
      %get3A_559 = arith.constant 0 : index
      %get3A_560 = tpu.vector_load %arg12[%get3A_558, %get3A_559] {strides = array<i32>} : memref<512x16xf32, #tpu.memory_space<vmem>>, vector<16xf32>,
      %get3A_561 = arith.index_cast %add3A_557 : i32 to index
      %get3A_562 = arith.constant 0 : index
      %get3A_563 = tpu.vector_load %arg13[%get3A_561, %get3A_562] {strides = array<i32>} : memref<512x16xf32, #tpu.memory_space<vmem>>, vector<16xf32>,
      %mul3A_564 = arith.mulf %get3A_560, %get3A_563 : vector<16xf32>
      %mul3A_565 = arith.mulf %mul3A_564, %get3A_319 : vector<16xf32>
      %get3A_566 = arith.index_cast %add3A_557 : i32 to index
      %get3A_567 = arith.constant 0 : index
      %get3A_568 = tpu.vector_load %arg14[%get3A_566, %get3A_567] {strides = array<i32>} : memref<512x16xf32, #tpu.memory_space<vmem>>, vector<16xf32>,
      %get3A_569 = arith.index_cast %add3A_557 : i32 to index
      %get3A_570 = arith.constant 0 : index
      %get3A_571 = tpu.vector_load %arg15[%get3A_569, %get3A_570] {strides = array<i32>} : memref<512x16xf32, #tpu.memory_space<vmem>>, vector<16xf32>,
      %mul3A_572 = arith.mulf %get3A_568, %get3A_571 : vector<16xf32>
      %mul3A_573 = arith.mulf %mul3A_572, %get3A_321 : vector<16xf32>
      %add3A_574 = arith.addf %mul3A_565, %mul3A_573 : vector<16xf32>
      %eq3A_575 = arith.constant 8 : i32
      %eq3A_576 = vector.broadcast %eq3A_575 : i32 to vector<16xi32>
      %eq3A_577 = arith.cmpi eq, %iota3A, %eq3A_576 : vector<16xi32>
      %reduce_sum3A_578 = arith.constant true
      %reduce_sum3A_579 = vector.broadcast %reduce_sum3A_578 : i1 to vector<16xi1>
      %reduce_sum3A_580 = tpu.scan <sum>, %add3A_574 masked %reduce_sum3A_579 : vector<16xf32>, vector<16xi1> -> vector<16xf32>
      %reduce_sum3A_581 = vector.extract %reduce_sum3A_580[15] : f32 from vector<16xf32>
      %broadcast_in_dim3A_582 = vector.broadcast %reduce_sum3A_581 : f32 to vector<16xf32>
      %select_n3A_583 = arith.select %eq3A_577, %broadcast_in_dim3A_582, %select_n3A_555 : vector<16xi1>, vector<16xf32>
      %add3A_584 = arith.constant 9 : i32
      %add3A_585 = arith.addi %mul3A_333, %add3A_584 : i32
      %get3A_586 = arith.index_cast %add3A_585 : i32 to index
      %get3A_587 = arith.constant 0 : index
      %get3A_588 = tpu.vector_load %arg12[%get3A_586, %get3A_587] {strides = array<i32>} : memref<512x16xf32, #tpu.memory_space<vmem>>, vector<16xf32>,
      %get3A_589 = arith.index_cast %add3A_585 : i32 to index
      %get3A_590 = arith.constant 0 : index
      %get3A_591 = tpu.vector_load %arg13[%get3A_589, %get3A_590] {strides = array<i32>} : memref<512x16xf32, #tpu.memory_space<vmem>>, vector<16xf32>,
      %mul3A_592 = arith.mulf %get3A_588, %get3A_591 : vector<16xf32>
      %mul3A_593 = arith.mulf %mul3A_592, %get3A_319 : vector<16xf32>
      %get3A_594 = arith.index_cast %add3A_585 : i32 to index
      %get3A_595 = arith.constant 0 : index
      %get3A_596 = tpu.vector_load %arg14[%get3A_594, %get3A_595] {strides = array<i32>} : memref<512x16xf32, #tpu.memory_space<vmem>>, vector<16xf32>,
      %get3A_597 = arith.index_cast %add3A_585 : i32 to index
      %get3A_598 = arith.constant 0 : index
      %get3A_599 = tpu.vector_load %arg15[%get3A_597, %get3A_598] {strides = array<i32>} : memref<512x16xf32, #tpu.memory_space<vmem>>, vector<16xf32>,
      %mul3A_600 = arith.mulf %get3A_596, %get3A_599 : vector<16xf32>
      %mul3A_601 = arith.mulf %mul3A_600, %get3A_321 : vector<16xf32>
      %add3A_602 = arith.addf %mul3A_593, %mul3A_601 : vector<16xf32>
      %eq3A_603 = arith.constant 9 : i32
      %eq3A_604 = vector.broadcast %eq3A_603 : i32 to vector<16xi32>
      %eq3A_605 = arith.cmpi eq, %iota3A, %eq3A_604 : vector<16xi32>
      %reduce_sum3A_606 = arith.constant true
      %reduce_sum3A_607 = vector.broadcast %reduce_sum3A_606 : i1 to vector<16xi1>
      %reduce_sum3A_608 = tpu.scan <sum>, %add3A_602 masked %reduce_sum3A_607 : vector<16xf32>, vector<16xi1> -> vector<16xf32>
      %reduce_sum3A_609 = vector.extract %reduce_sum3A_608[15] : f32 from vector<16xf32>
      %broadcast_in_dim3A_610 = vector.broadcast %reduce_sum3A_609 : f32 to vector<16xf32>
      %select_n3A_611 = arith.select %eq3A_605, %broadcast_in_dim3A_610, %select_n3A_583 : vector<16xi1>, vector<16xf32>
      %add3A_612 = arith.constant 10 : i32
      %add3A_613 = arith.addi %mul3A_333, %add3A_612 : i32
      %get3A_614 = arith.index_cast %add3A_613 : i32 to index
      %get3A_615 = arith.constant 0 : index
      %get3A_616 = tpu.vector_load %arg12[%get3A_614, %get3A_615] {strides = array<i32>} : memref<512x16xf32, #tpu.memory_space<vmem>>, vector<16xf32>,
      %get3A_617 = arith.index_cast %add3A_613 : i32 to index
      %get3A_618 = arith.constant 0 : index
      %get3A_619 = tpu.vector_load %arg13[%get3A_617, %get3A_618] {strides = array<i32>} : memref<512x16xf32, #tpu.memory_space<vmem>>, vector<16xf32>,
      %mul3A_620 = arith.mulf %get3A_616, %get3A_619 : vector<16xf32>
      %mul3A_621 = arith.mulf %mul3A_620, %get3A_319 : vector<16xf32>
      %get3A_622 = arith.index_cast %add3A_613 : i32 to index
      %get3A_623 = arith.constant 0 : index
      %get3A_624 = tpu.vector_load %arg14[%get3A_622, %get3A_623] {strides = array<i32>} : memref<512x16xf32, #tpu.memory_space<vmem>>, vector<16xf32>,
      %get3A_625 = arith.index_cast %add3A_613 : i32 to index
      %get3A_626 = arith.constant 0 : index
      %get3A_627 = tpu.vector_load %arg15[%get3A_625, %get3A_626] {strides = array<i32>} : memref<512x16xf32, #tpu.memory_space<vmem>>, vector<16xf32>,
      %mul3A_628 = arith.mulf %get3A_624, %get3A_627 : vector<16xf32>
      %mul3A_629 = arith.mulf %mul3A_628, %get3A_321 : vector<16xf32>
      %add3A_630 = arith.addf %mul3A_621, %mul3A_629 : vector<16xf32>
      %eq3A_631 = arith.constant 10 : i32
      %eq3A_632 = vector.broadcast %eq3A_631 : i32 to vector<16xi32>
      %eq3A_633 = arith.cmpi eq, %iota3A, %eq3A_632 : vector<16xi32>
      %reduce_sum3A_634 = arith.constant true
      %reduce_sum3A_635 = vector.broadcast %reduce_sum3A_634 : i1 to vector<16xi1>
      %reduce_sum3A_636 = tpu.scan <sum>, %add3A_630 masked %reduce_sum3A_635 : vector<16xf32>, vector<16xi1> -> vector<16xf32>
      %reduce_sum3A_637 = vector.extract %reduce_sum3A_636[15] : f32 from vector<16xf32>
      %broadcast_in_dim3A_638 = vector.broadcast %reduce_sum3A_637 : f32 to vector<16xf32>
      %select_n3A_639 = arith.select %eq3A_633, %broadcast_in_dim3A_638, %select_n3A_611 : vector<16xi1>, vector<16xf32>
      %add3A_640 = arith.constant 11 : i32
      %add3A_641 = arith.addi %mul3A_333, %add3A_640 : i32
      %get3A_642 = arith.index_cast %add3A_641 : i32 to index
      %get3A_643 = arith.constant 0 : index
      %get3A_644 = tpu.vector_load %arg12[%get3A_642, %get3A_643] {strides = array<i32>} : memref<512x16xf32, #tpu.memory_space<vmem>>, vector<16xf32>,
      %get3A_645 = arith.index_cast %add3A_641 : i32 to index
      %get3A_646 = arith.constant 0 : index
      %get3A_647 = tpu.vector_load %arg13[%get3A_645, %get3A_646] {strides = array<i32>} : memref<512x16xf32, #tpu.memory_space<vmem>>, vector<16xf32>,
      %mul3A_648 = arith.mulf %get3A_644, %get3A_647 : vector<16xf32>
      %mul3A_649 = arith.mulf %mul3A_648, %get3A_319 : vector<16xf32>
      %get3A_650 = arith.index_cast %add3A_641 : i32 to index
      %get3A_651 = arith.constant 0 : index
      %get3A_652 = tpu.vector_load %arg14[%get3A_650, %get3A_651] {strides = array<i32>} : memref<512x16xf32, #tpu.memory_space<vmem>>, vector<16xf32>,
      %get3A_653 = arith.index_cast %add3A_641 : i32 to index
      %get3A_654 = arith.constant 0 : index
      %get3A_655 = tpu.vector_load %arg15[%get3A_653, %get3A_654] {strides = array<i32>} : memref<512x16xf32, #tpu.memory_space<vmem>>, vector<16xf32>,
      %mul3A_656 = arith.mulf %get3A_652, %get3A_655 : vector<16xf32>
      %mul3A_657 = arith.mulf %mul3A_656, %get3A_321 : vector<16xf32>
      %add3A_658 = arith.addf %mul3A_649, %mul3A_657 : vector<16xf32>
      %eq3A_659 = arith.constant 11 : i32
      %eq3A_660 = vector.broadcast %eq3A_659 : i32 to vector<16xi32>
      %eq3A_661 = arith.cmpi eq, %iota3A, %eq3A_660 : vector<16xi32>
      %reduce_sum3A_662 = arith.constant true
      %reduce_sum3A_663 = vector.broadcast %reduce_sum3A_662 : i1 to vector<16xi1>
      %reduce_sum3A_664 = tpu.scan <sum>, %add3A_658 masked %reduce_sum3A_663 : vector<16xf32>, vector<16xi1> -> vector<16xf32>
      %reduce_sum3A_665 = vector.extract %reduce_sum3A_664[15] : f32 from vector<16xf32>
      %broadcast_in_dim3A_666 = vector.broadcast %reduce_sum3A_665 : f32 to vector<16xf32>
      %select_n3A_667 = arith.select %eq3A_661, %broadcast_in_dim3A_666, %select_n3A_639 : vector<16xi1>, vector<16xf32>
      %add3A_668 = arith.constant 12 : i32
      %add3A_669 = arith.addi %mul3A_333, %add3A_668 : i32
      %get3A_670 = arith.index_cast %add3A_669 : i32 to index
      %get3A_671 = arith.constant 0 : index
      %get3A_672 = tpu.vector_load %arg12[%get3A_670, %get3A_671] {strides = array<i32>} : memref<512x16xf32, #tpu.memory_space<vmem>>, vector<16xf32>,
      %get3A_673 = arith.index_cast %add3A_669 : i32 to index
      %get3A_674 = arith.constant 0 : index
      %get3A_675 = tpu.vector_load %arg13[%get3A_673, %get3A_674] {strides = array<i32>} : memref<512x16xf32, #tpu.memory_space<vmem>>, vector<16xf32>,
      %mul3A_676 = arith.mulf %get3A_672, %get3A_675 : vector<16xf32>
      %mul3A_677 = arith.mulf %mul3A_676, %get3A_319 : vector<16xf32>
      %get3A_678 = arith.index_cast %add3A_669 : i32 to index
      %get3A_679 = arith.constant 0 : index
      %get3A_680 = tpu.vector_load %arg14[%get3A_678, %get3A_679] {strides = array<i32>} : memref<512x16xf32, #tpu.memory_space<vmem>>, vector<16xf32>,
      %get3A_681 = arith.index_cast %add3A_669 : i32 to index
      %get3A_682 = arith.constant 0 : index
      %get3A_683 = tpu.vector_load %arg15[%get3A_681, %get3A_682] {strides = array<i32>} : memref<512x16xf32, #tpu.memory_space<vmem>>, vector<16xf32>,
      %mul3A_684 = arith.mulf %get3A_680, %get3A_683 : vector<16xf32>
      %mul3A_685 = arith.mulf %mul3A_684, %get3A_321 : vector<16xf32>
      %add3A_686 = arith.addf %mul3A_677, %mul3A_685 : vector<16xf32>
      %eq3A_687 = arith.constant 12 : i32
      %eq3A_688 = vector.broadcast %eq3A_687 : i32 to vector<16xi32>
      %eq3A_689 = arith.cmpi eq, %iota3A, %eq3A_688 : vector<16xi32>
      %reduce_sum3A_690 = arith.constant true
      %reduce_sum3A_691 = vector.broadcast %reduce_sum3A_690 : i1 to vector<16xi1>
      %reduce_sum3A_692 = tpu.scan <sum>, %add3A_686 masked %reduce_sum3A_691 : vector<16xf32>, vector<16xi1> -> vector<16xf32>
      %reduce_sum3A_693 = vector.extract %reduce_sum3A_692[15] : f32 from vector<16xf32>
      %broadcast_in_dim3A_694 = vector.broadcast %reduce_sum3A_693 : f32 to vector<16xf32>
      %select_n3A_695 = arith.select %eq3A_689, %broadcast_in_dim3A_694, %select_n3A_667 : vector<16xi1>, vector<16xf32>
      %add3A_696 = arith.constant 13 : i32
      %add3A_697 = arith.addi %mul3A_333, %add3A_696 : i32
      %get3A_698 = arith.index_cast %add3A_697 : i32 to index
      %get3A_699 = arith.constant 0 : index
      %get3A_700 = tpu.vector_load %arg12[%get3A_698, %get3A_699] {strides = array<i32>} : memref<512x16xf32, #tpu.memory_space<vmem>>, vector<16xf32>,
      %get3A_701 = arith.index_cast %add3A_697 : i32 to index
      %get3A_702 = arith.constant 0 : index
      %get3A_703 = tpu.vector_load %arg13[%get3A_701, %get3A_702] {strides = array<i32>} : memref<512x16xf32, #tpu.memory_space<vmem>>, vector<16xf32>,
      %mul3A_704 = arith.mulf %get3A_700, %get3A_703 : vector<16xf32>
      %mul3A_705 = arith.mulf %mul3A_704, %get3A_319 : vector<16xf32>
      %get3A_706 = arith.index_cast %add3A_697 : i32 to index
      %get3A_707 = arith.constant 0 : index
      %get3A_708 = tpu.vector_load %arg14[%get3A_706, %get3A_707] {strides = array<i32>} : memref<512x16xf32, #tpu.memory_space<vmem>>, vector<16xf32>,
      %get3A_709 = arith.index_cast %add3A_697 : i32 to index
      %get3A_710 = arith.constant 0 : index
      %get3A_711 = tpu.vector_load %arg15[%get3A_709, %get3A_710] {strides = array<i32>} : memref<512x16xf32, #tpu.memory_space<vmem>>, vector<16xf32>,
      %mul3A_712 = arith.mulf %get3A_708, %get3A_711 : vector<16xf32>
      %mul3A_713 = arith.mulf %mul3A_712, %get3A_321 : vector<16xf32>
      %add3A_714 = arith.addf %mul3A_705, %mul3A_713 : vector<16xf32>
      %eq3A_715 = arith.constant 13 : i32
      %eq3A_716 = vector.broadcast %eq3A_715 : i32 to vector<16xi32>
      %eq3A_717 = arith.cmpi eq, %iota3A, %eq3A_716 : vector<16xi32>
      %reduce_sum3A_718 = arith.constant true
      %reduce_sum3A_719 = vector.broadcast %reduce_sum3A_718 : i1 to vector<16xi1>
      %reduce_sum3A_720 = tpu.scan <sum>, %add3A_714 masked %reduce_sum3A_719 : vector<16xf32>, vector<16xi1> -> vector<16xf32>
      %reduce_sum3A_721 = vector.extract %reduce_sum3A_720[15] : f32 from vector<16xf32>
      %broadcast_in_dim3A_722 = vector.broadcast %reduce_sum3A_721 : f32 to vector<16xf32>
      %select_n3A_723 = arith.select %eq3A_717, %broadcast_in_dim3A_722, %select_n3A_695 : vector<16xi1>, vector<16xf32>
      %add3A_724 = arith.constant 14 : i32
      %add3A_725 = arith.addi %mul3A_333, %add3A_724 : i32
      %get3A_726 = arith.index_cast %add3A_725 : i32 to index
      %get3A_727 = arith.constant 0 : index
      %get3A_728 = tpu.vector_load %arg12[%get3A_726, %get3A_727] {strides = array<i32>} : memref<512x16xf32, #tpu.memory_space<vmem>>, vector<16xf32>,
      %get3A_729 = arith.index_cast %add3A_725 : i32 to index
      %get3A_730 = arith.constant 0 : index
      %get3A_731 = tpu.vector_load %arg13[%get3A_729, %get3A_730] {strides = array<i32>} : memref<512x16xf32, #tpu.memory_space<vmem>>, vector<16xf32>,
      %mul3A_732 = arith.mulf %get3A_728, %get3A_731 : vector<16xf32>
      %mul3A_733 = arith.mulf %mul3A_732, %get3A_319 : vector<16xf32>
      %get3A_734 = arith.index_cast %add3A_725 : i32 to index
      %get3A_735 = arith.constant 0 : index
      %get3A_736 = tpu.vector_load %arg14[%get3A_734, %get3A_735] {strides = array<i32>} : memref<512x16xf32, #tpu.memory_space<vmem>>, vector<16xf32>,
      %get3A_737 = arith.index_cast %add3A_725 : i32 to index
      %get3A_738 = arith.constant 0 : index
      %get3A_739 = tpu.vector_load %arg15[%get3A_737, %get3A_738] {strides = array<i32>} : memref<512x16xf32, #tpu.memory_space<vmem>>, vector<16xf32>,
      %mul3A_740 = arith.mulf %get3A_736, %get3A_739 : vector<16xf32>
      %mul3A_741 = arith.mulf %mul3A_740, %get3A_321 : vector<16xf32>
      %add3A_742 = arith.addf %mul3A_733, %mul3A_741 : vector<16xf32>
      %eq3A_743 = arith.constant 14 : i32
      %eq3A_744 = vector.broadcast %eq3A_743 : i32 to vector<16xi32>
      %eq3A_745 = arith.cmpi eq, %iota3A, %eq3A_744 : vector<16xi32>
      %reduce_sum3A_746 = arith.constant true
      %reduce_sum3A_747 = vector.broadcast %reduce_sum3A_746 : i1 to vector<16xi1>
      %reduce_sum3A_748 = tpu.scan <sum>, %add3A_742 masked %reduce_sum3A_747 : vector<16xf32>, vector<16xi1> -> vector<16xf32>
      %reduce_sum3A_749 = vector.extract %reduce_sum3A_748[15] : f32 from vector<16xf32>
      %broadcast_in_dim3A_750 = vector.broadcast %reduce_sum3A_749 : f32 to vector<16xf32>
      %select_n3A_751 = arith.select %eq3A_745, %broadcast_in_dim3A_750, %select_n3A_723 : vector<16xi1>, vector<16xf32>
      %add3A_752 = arith.constant 15 : i32
      %add3A_753 = arith.addi %mul3A_333, %add3A_752 : i32
      %get3A_754 = arith.index_cast %add3A_753 : i32 to index
      %get3A_755 = arith.constant 0 : index
      %get3A_756 = tpu.vector_load %arg12[%get3A_754, %get3A_755] {strides = array<i32>} : memref<512x16xf32, #tpu.memory_space<vmem>>, vector<16xf32>,
      %get3A_757 = arith.index_cast %add3A_753 : i32 to index
      %get3A_758 = arith.constant 0 : index
      %get3A_759 = tpu.vector_load %arg13[%get3A_757, %get3A_758] {strides = array<i32>} : memref<512x16xf32, #tpu.memory_space<vmem>>, vector<16xf32>,
      %mul3A_760 = arith.mulf %get3A_756, %get3A_759 : vector<16xf32>
      %mul3A_761 = arith.mulf %mul3A_760, %get3A_319 : vector<16xf32>
      %get3A_762 = arith.index_cast %add3A_753 : i32 to index
      %get3A_763 = arith.constant 0 : index
      %get3A_764 = tpu.vector_load %arg14[%get3A_762, %get3A_763] {strides = array<i32>} : memref<512x16xf32, #tpu.memory_space<vmem>>, vector<16xf32>,
      %get3A_765 = arith.index_cast %add3A_753 : i32 to index
      %get3A_766 = arith.constant 0 : index
      %get3A_767 = tpu.vector_load %arg15[%get3A_765, %get3A_766] {strides = array<i32>} : memref<512x16xf32, #tpu.memory_space<vmem>>, vector<16xf32>,
      %mul3A_768 = arith.mulf %get3A_764, %get3A_767 : vector<16xf32>
      %mul3A_769 = arith.mulf %mul3A_768, %get3A_321 : vector<16xf32>
      %add3A_770 = arith.addf %mul3A_761, %mul3A_769 : vector<16xf32>
      %eq3A_771 = arith.constant 15 : i32
      %eq3A_772 = vector.broadcast %eq3A_771 : i32 to vector<16xi32>
      %eq3A_773 = arith.cmpi eq, %iota3A, %eq3A_772 : vector<16xi32>
      %reduce_sum3A_774 = arith.constant true
      %reduce_sum3A_775 = vector.broadcast %reduce_sum3A_774 : i1 to vector<16xi1>
      %reduce_sum3A_776 = tpu.scan <sum>, %add3A_770 masked %reduce_sum3A_775 : vector<16xf32>, vector<16xi1> -> vector<16xf32>
      %reduce_sum3A_777 = vector.extract %reduce_sum3A_776[15] : f32 from vector<16xf32>
      %broadcast_in_dim3A_778 = vector.broadcast %reduce_sum3A_777 : f32 to vector<16xf32>
      %select_n3A_779 = arith.select %eq3A_773, %broadcast_in_dim3A_778, %select_n3A_751 : vector<16xi1>, vector<16xf32>
      %add3A_780 = arith.addf %select_n3A_779, %get3A_323 : vector<16xf32>
      %max3A = arith.constant 0.000000e+00 : f32
      %max3A_781 = vector.broadcast %max3A : f32 to vector<16xf32>
      %max3A_782 = arith.maximumf %add3A_780, %max3A_781 : vector<16xf32>
      %swap3A = arith.index_cast %mul3A_333 : i32 to index
      %swap3A_783 = tpu.vector_load %arg17[%swap3A] {strides = array<i32>} : memref<512xf32, #tpu.memory_space<vmem>>, vector<16xf32>,
      tpu.vector_store %arg17[%swap3A], %max3A_782 {strides = array<i32>} : memref<512xf32, #tpu.memory_space<vmem>>, vector<16xf32>,
    }
    %scan3A_328 = arith.constant 32 : i32
    %mul3A_329 = arith.constant 512 : i32
    %mul3A_330 = arith.muli %add3A, %mul3A_329 : i32
    "tpu.region"() ({
      %run_scoped3A = tpu.sem_alloc : memref<!tpu.dma_semaphore, #tpu.memory_space<semaphore_mem>>
      %dma_start3A_331 = tpu.memref_slice %arg9[%mul3A_330] : memref<16384xf32, #tpu.memory_space<hbm>> -> memref<512xf32, #tpu.memory_space<hbm>>
      %dma_start3A_332 = tpu.memref_slice %arg9[%mul3A_330] : memref<16384xf32, #tpu.memory_space<hbm>> -> memref<512xf32, #tpu.memory_space<hbm>>
      tpu.enqueue_dma source(%arg17 : memref<512xf32, #tpu.memory_space<vmem>>) target(%dma_start3A_332 : memref<512xf32, #tpu.memory_space<hbm>>) target_semaphore(%run_scoped3A : memref<!tpu.dma_semaphore, #tpu.memory_space<semaphore_mem>>)
      %dma_wait3A_333 = tpu.memref_slice %arg9[%mul3A_330] : memref<16384xf32, #tpu.memory_space<hbm>> -> memref<512xf32, #tpu.memory_space<hbm>>
      %dma_wait3A_334 = tpu.memref_slice %arg9[%mul3A_330] : memref<16384xf32, #tpu.memory_space<hbm>> -> memref<512xf32, #tpu.memory_space<hbm>>
      tpu.wait_dma2 semaphore(%run_scoped3A : memref<!tpu.dma_semaphore, #tpu.memory_space<semaphore_mem>>) src(%arg17 : memref<512xf32, #tpu.memory_space<vmem>>) dst(%dma_wait3A_334 : memref<512xf32, #tpu.memory_space<hbm>>)
      tpu.yield
    }) : () -> ()
    return
  }
}

</mosaic_0001>

<sc_bundles>
// kernel: kernel.3.cloned.1.call-start
scs
__scs_entry_jumppad:
0x0: {  	(pc) =	sbr.rel $0x88, $3  }
0x1: {  	(tag) =	ssettag $0x0;
	lr =	simm.s32 $0x1  }
0x2: {  	[smem:$0x3F99] =	sst lr;
	_ =	strace $0xD0000000  }
0x3: {  	_ = 	snop  }
0x4: {  	_ = 	snop  }
0x5: {  	_ = 	snop  }
0x6: {  	_ = 	snop  }
0x7: {  	_ = 	snop  }
__scs_overlays_trampoline_lowered:
0x8: {  	[smem:$0x3FA8] =	sst s0  }
0x9: {  	[smem:$0x3FA9] =	sst s1  }
0xa: {  	[smem:$0x3FAA] =	sst s2  }
0xb: {  	[smem:$0x3FAB] =	sst s3  }
0xc: {  	[smem:$0x3FAC] =	sst s4  }
0xd: {  	[smem:$0x3FAD] =	sst s5  }
0xe: {  	[smem:$0x3FAE] =	sst s6  }
0xf: {  	[smem:$0x3FAF] =	sst s7  }
0x10: {  	[smem:$0x3FB0] =	sst s8  }
0x11: {  	[smem:$0x3FB1] =	sst s9;
	s0 =	simm.s32 @!p0 $0x0  }
0x12: {  	s1 =	sld [smem:$0x3F97];
	s0 =	simm.s32 @p0 $0x1  }
0x13: {  	[smem:$0x3FB2] =	sst s0;
	s0 =	simm.s32 @!p1 $0x0  }
0x14: {  	s2 =	sld [smem:$0x3F96];
	s0 =	simm.s32 @p1 $0x1  }
0x15: {  	[smem:$0x3FB3] =	sst s0;
	s0 =	simm.s32 @!p2 $0x0  }
0x16: {  	s3 =	sld [smem:$0x3FDB];
	s0 =	simm.s32 @p2 $0x1  }
0x17: {  	s4 =	simm.s32 $0x1BF5;
	[smem:$0x3FB5] =	sst s0  }
0x18: {  	s0 =	sld [smem:$0x3F98];
	_ =	swait.ge [sflag:s4], $0x0  }
0x19: {  	s7 =	sld [smem:$0x3F99]  }
0x1a: {  	s8 =	sadd.s32 $0xFFFFE003, lr  }
0x1b: {  	s9 =	sadd.s32 $0xFFFFFEF7, lr;
	s5 =	simm.s32 $0xFFFFFFFF;
	p2 =	slt.u32 s8, $0xFFFFF086  }
0x1c: {  	p1 =	slt.u32 s9, $0xF7A;
	s5 =	simm.s32 @!p2 $0x0  }
0x1d: {  	s5 =	simm.s32 @p1 $0x1;
	p0 =	seq.s32 s7, s2  }
0x1e: {  	s7 =	smul.u32 @!p0 $0xF7A, s2;
	p2 =	seq.s32 @!p0 s5, $0x0  }
0x1f: {  	s9 =	smul.u32 $0xF7A, s1;
	s8 =	simm.s32 @!p0 $0x1BF5;
	p2 =	por !p2, p0  }
0x20: {  	[sflag:s8] =	ssyncset.s32 @!p0 $0xFFFFF086;
	s6 =	sadd.s32 @!p0 s3, s7;
	s7 =	simm.s32 @!p0 $0x108  }
0x21: {  	s3 =	sadd.s32 s3, s9;
	s6 =	sadd.s32 @!p0 $0x88, s6;
	s7 =	simm.s32 @p2 $0x1082  }
0x22: {  	[simem:s7], [sflag:s8] =	dma.local @!p0 [hbm:s6], $0xF7A  }
0x23: {  	s9 =	sor.u32 $0xD0000000, s2;
	s6 =	simm.s32 $0x108;
	_ =	swait.ge @!p0 [sflag:s8], $0x0  }
0x24: {  	s3 =	sadd.s32 $0x88, s3;
	s6 =	simm.s32 @!p1 $0x1082;
	[sflag:s4] =	ssyncset.s32 $0xFFFFF086  }
0x25: {  	[simem:s6], [sflag:s4] =	dma.local [hbm:s3], $0xF7A  }
0x26: {  	[smem:$0x3F99] =	sst s1;
	(tag) =	ssettag s2;
	_ =	strace s9  }
0x27: {  	s1 =	sld [smem:$0x3FA9]  }
0x28: {  	s2 =	sld [smem:$0x3FAA]  }
0x29: {  	s4 =	sld [smem:$0x3FAC]  }
0x2a: {  	p0 =	seq.s32 s5, $0x0;
	s5 =	sld [smem:$0x3FAD]  }
0x2b: {  	s6 =	sld [smem:$0x3FAE]  }
0x2c: {  	s7 =	sld [smem:$0x3FAF]  }
0x2d: {  	s3 =	simm.s32 $0x108;
	s8 =	sld [smem:$0x3FB0]  }
0x2e: {  	s3 =	simm.s32 @!p0 $0x1082;
	s9 =	sld [smem:$0x3FB1]  }
0x2f: {  	lr =	sadd.s32 s0, s3;
	s0 =	sld [smem:$0x3FA8]  }
0x30: {  	s3 =	sld [smem:$0x3FAB]  }
0x31: {  	[smem:$0x3FB4] =	sst s10  }
0x32: {  	s10 =	sld [smem:$0x3FB2];
	_ =	sdelay $0x3  }
0x33: {  	p0 =	seq.s32 s10, $0x1;
	s10 =	sld [smem:$0x3FB4];
	_ =	sdelay $0x3  }
0x34: {  	[smem:$0x3FB4] =	sst s10  }
0x35: {  	s10 =	sld [smem:$0x3FB3];
	_ =	sdelay $0x3  }
0x36: {  	p1 =	seq.s32 s10, $0x1;
	s10 =	sld [smem:$0x3FB4];
	_ =	sdelay $0x3  }
0x37: {  	[smem:$0x3FB4] =	sst s10  }
0x38: {  	s10 =	sld [smem:$0x3FB5]  }
0x39: {  	_ = 	snop;
	(pc) =	sbr.ind lr, $3  }
0x3a: {  	_ = 	snop  }
0x3b: {  	_ = 	snop  }
0x3c: {  	p2 =	seq.s32 s10, $0x1;
	s10 =	sld [smem:$0x3FB4]  }
0x3d: {  	_ =	shalt  }
0x3e: {  	_ =	shalt  }
0x3f: {  	_ =	shalt  }
0x40: {  	_ =	shalt  }
0x41: {  	_ =	shalt  }
0x42: {  	_ =	shalt  }
0x43: {  	_ =	shalt  }
0x44: {  	_ =	shalt  }
0x45: {  	_ =	shalt  }
0x46: {  	_ =	shalt  }
0x47: {  	_ =	shalt  }
0x48: {  	_ =	shalt  }
0x49: {  	_ =	shalt  }
0x4a: {  	_ =	shalt  }
0x4b: {  	_ =	shalt  }
0x4c: {  	_ =	shalt  }
0x4d: {  	_ =	shalt  }
0x4e: {  	_ =	shalt  }
0x4f: {  	_ =	shalt  }
0x50: {  	_ =	shalt  }
0x51: {  	_ =	shalt  }
0x52: {  	_ =	shalt  }
0x53: {  	_ =	shalt  }
0x54: {  	_ =	shalt  }
0x55: {  	_ =	shalt  }
0x56: {  	_ =	shalt  }
0x57: {  	_ =	shalt  }
0x58: {  	_ =	shalt  }
0x59: {  	_ =	shalt  }
0x5a: {  	_ =	shalt  }
0x5b: {  	_ =	shalt  }
0x5c: {  	_ =	shalt  }
0x5d: {  	_ =	shalt  }
0x5e: {  	_ =	shalt  }
0x5f: {  	_ =	shalt  }
0x60: {  	_ =	shalt  }
0x61: {  	_ =	shalt  }
0x62: {  	_ =	shalt  }
0x63: {  	_ =	shalt  }
0x64: {  	_ =	shalt  }
0x65: {  	_ =	shalt  }
0x66: {  	_ =	shalt  }
0x67: {  	_ =	shalt  }
0x68: {  	_ =	shalt  }
0x69: {  	_ =	shalt  }
0x6a: {  	_ =	shalt  }
0x6b: {  	_ =	shalt  }
0x6c: {  	_ =	shalt  }
0x6d: {  	_ =	shalt  }
0x6e: {  	_ =	shalt  }
0x6f: {  	_ =	shalt  }
0x70: {  	_ =	shalt  }
0x71: {  	_ =	shalt  }
0x72: {  	_ =	shalt  }
0x73: {  	_ =	shalt  }
0x74: {  	_ =	shalt  }
0x75: {  	_ =	shalt  }
0x76: {  	_ =	shalt  }
0x77: {  	_ =	shalt  }
0x78: {  	_ =	shalt  }
0x79: {  	_ =	shalt  }
0x7a: {  	_ =	shalt  }
0x7b: {  	_ =	shalt  }
0x7c: {  	_ =	shalt  }
0x7d: {  	_ =	shalt  }
0x7e: {  	_ =	shalt  }
0x7f: {  	_ =	shalt  }
0x80: {  	_ =	shalt  }
0x81: {  	_ =	shalt  }
0x82: {  	_ =	shalt  }
0x83: {  	_ =	shalt  }
0x84: {  	_ =	shalt  }
0x85: {  	_ =	shalt  }
0x86: {  	_ =	shalt  }
0x87: {  	_ =	shalt  }
.Lfunc_end0:
.L_simem_size_0:
called_computation_lowered:
.L_overlay_start_0:
0x88: {  	s2 =	sld [smem:$0x3FD9]  }
0x89: {  	s3 =	sld [smem:$0x3FFE];
	_ =	sdelay $0x1  }
0x8a: {  	s1 =	srdreg.scid  }
0x8b: {  	s0 =	sand.u32 $0x1, s1  }
0x8c: {  	s17 =	sshll.u32 s0, $0xA;
	s2 =	sadd.s32 s3, s2  }
0x8d: {  	s2 =	sadd.s32 s2, s17  }
0x8e: {  	[smem:$0x3FC0] =	sst s2  }
0x8f: {  	_ = 	snop  }
0x90: {  	s2 =	sld [smem:$0x3FC9]  }
0x91: {  	s18 =	sld [smem:$0x3FC8]  }
0x92: {  	s4 =	sld [smem:$0x3FD0];
	(tm) =	ssettm $0x1  }
0x93: {  	s5 =	sld [smem:$0x3FFB];
	_ =	sdelay $0x3  }
0x94: {  	_ =	strace s5  }
0x95: {  	s5 =	sld [smem:$0x3FFC];
	_ =	sdelay $0x3  }
0x96: {  	_ =	strace s5  }
0x97: {  	s5 =	sld [smem:$0x3FFD];
	_ =	sdelay $0x3  }
0x98: {  	_ =	strace s5  }
0x99: {  	_ =	strace $0x8FFFFFFF  }
0x9a: {  	s19 =	sld [smem:$0x3FDB];
	_ =	sdelay $0x1  }
0x9b: {  	s6 =	simm.s32 $_scs_section_size  }
0x9c: {  	s7 =	simm.s32 $_size__tile_overlayer_lowered;
	s8 =	simm.s32 $_tile_overlayer_lowered  }
0x9d: {  	s22 =	simm.s32 $0x1BFF;
	s21 =	sshll.u32 s8, $0x1;
	s5 =	sadd.s32 s6, s19  }
0x9e: {  	s9 =	simm.s32 $0x0;
	s20 =	sshll.u32 s7, $0x1;
	s7 =	sadd.s32 s21, s5  }
0x9f: {  	[timem:s9], [sflag:s22] =	dma.local [hbm:s7], s20  }
0xa0: {  	_ =	swait.ge [sflag:s22], s20  }
0xa1: {  	s6 =	ssub.s32 $0x0, s20;
	[sflag:s22] =	ssyncset.done $0x0  }
0xa2: {  	[sflag:s22] =	ssyncadd.s32 s6;
	_ =	sdelay $0x1  }
0xa3: {  	s23 =	simm.s32 $0x1B8B  }
0xa4: {  	_ =	swait.ge [sflag:s23], $0x1  }
0xa5: {  	[sflag:s23] =	ssyncset.done $0x0  }
0xa6: {  	s25 =	simm.s32 $0x1B8E;
	s24 =	sld [smem:$0x3FFE];
	[sflag:s23] =	ssyncadd.s32 $0xFFFFFFFF  }
0xa7: {  	s26 =	simm.s32 $execute0_lowered;
	[smem:$0x3FD2] =	sst s25  }
0xa8: {  	s7 =	sshll.u32 s26, $0x1;
	_ =	strace $0x80000046;
	[dreg:$0x1] =	wrdreg $0xFFFFFFFF  }
0xa9: {  	s28 =	simm.s32 $_size_execute0_lowered;
	s5 =	sadd.s32 s5, s7;
	[dreg:$0x0] =	wrdreg $0x0  }
0xaa: {  	s7 =	sshll.u32 s28, $0x1;
	[dreg:$0x2] =	wrdreg s5  }
0xab: {  	[dreg:$0x3] =	wrdreg s7  }
0xac: {  	[dreg:$0x4] =	wrdreg $0xC0  }
0xad: {  	_ =	task [dreg:s9], $0x5FFFF  }
0xae: {  	[dreg:$0x1] =	wrdreg $0xFFFFFFFF  }
0xaf: {  	[dreg:$0x0] =	wrdreg $0x60  }
0xb0: {  	[dreg:$0x2] =	wrdreg s2  }
0xb1: {  	[dreg:$0x3] =	wrdreg s18  }
0xb2: {  	[dreg:$0x4] =	wrdreg s24  }
0xb3: {  	[dreg:$0x5] =	wrdreg s4  }
0xb4: {  	[dreg:$0x6] =	wrdreg $0x9  }
0xb5: {  	_ =	task.clear_ibuf [dreg:s9], $0x7FFFF;
	_ =	strace $0x90000046  }
0xb6: {  	s29 =	simm.s32 $0x9;
	_ =	strace $0x80000048  }
0xb7: {  	_ =	swait.ge [sflag:s29], $0x1  }
0xb8: {  	[sflag:s29] =	ssyncadd.s32 $0xFFFFFFFF  }
0xb9: {  	_ =	strace $0x90000048  }
0xba: {  	_ =	sfence  }
0xbb: {  	s30 =	sld [smem:$0x0];
	_ =	sdelay $0x2  }
0xbc: {  	s31 =	sshll.u32 s1, $0xD;
	s1 =	sshrl.u32 s1, $0x2  }
0xbd: {  	s3 =	sand.u32 $0x4000, s31;
	s1 =	sadd.s32 s1, s30  }
0xbe: {  	s0 =	sor.u32 s3, s0;
	s1 =	sshll.u32 s1, $0x11  }
0xbf: {  	s0 =	sor.u32 s1, s0  }
0xc0: {  	s0 =	sadd.s32 $0x8F2B, s0  }
0xc1: {  	[sflag:s0] =	ssyncadd.remote.s32 $0x1  }
0xc2: {  	_ =	sfence.sel $0xFFFF  }
0xc3: {  	[dreg:$0x0] =	wrdreg $0xFFFFFFFF;
	(pc) =	sbr.abs _section_cstart, $3  }
0xc4: {  	[dreg:$0x1] =	wrdreg $0xFFFFFFFF  }
0xc5: {  	_ =	task.clear_ibuf [dreg:s9], $0x2FFFF;
	_ =	strace $0x9FFFFFFF  }
0xc6: {  	(tm) =	ssettm $0x7FFFFFFF  }
0xc7: {  	_ =	shalt  }
tec
execute0_lowered:
.L_overlay_start_1:
0x0: {  	(tag) =	ssettag $0x1  }
0x1: {  	s0 =	rddreg [dreg:$0x0]  }
0x2: {  	s3 =	rddreg [dreg:$0x1]  }
0x3: {  	s7 =	rddreg [dreg:$0x2]  }
0x4: {  	s10 =	rddreg [dreg:$0x3]  }
0x5: {  	s1 =	simm.s32 $0x0;
	s8 =	srdreg.scid;
	s11 =	stileid.u32  }
0x6: {  	s13 =	simm.s32 $0x2;
	s14 =	simm.s32 $0x200;
	s15 =	simm.s32 $0x80  }
0x7: {  	s21 =	simm.s32 $0x280;
	s25 =	simm.s32 $0x100;
	s28 =	simm.s32 $0x300  }
0x8: {  	s29 =	simm.s32 $0x3400;
	s30 =	simm.s32 $0x5400;
	s31 =	simm.s32 $0x7400  }
0x9: {  	s16 =	simm.s32 $0x3C00;
	s17 =	simm.s32 $0x5C00;
	s18 =	simm.s32 $0x7C00  }
0xa: {  	s19 =	simm.s32 $0x1;
	s20 =	simm.s32 $0x8430;
	[smem:$0x7FF] =	sst s1  }
0xb: {  	s22 =	simm.s32 $0x0;
	s2 =	sadd.s32 $0x1B8200, s7;
	s4 =	sadd.s32 $0x112B400, s7  }
0xc: {  	s5 =	sadd.s32 $0x187400, s7;
	s6 =	sadd.s32 $0xF42E00, s7;
	s8 =	sand.u32 $0x1, s8  }
0xd: {  	vm0 =	vmmov $0x1;
	vm1 =	vmmov $0x3;
	vm2 =	vmmov $0x7;
	s11 =	sshll.u32 s11, $0x7;
	s9 =	ssub.s32 $0x2, s8;
	s8 =	sshll.u32 s8, $0x6  }
0xe: {  	vm3 =	vmmov $0xf;
	vm4 =	vmmov $0x1f;
	vm5 =	vmmov $0x3f;
	s7 =	sadd.s32 $0xA00, s7;
	s12 =	sshrl.u32 s9, $0x1;
	s11 =	sor.u32 s8, s11  }
0xf: {  	vm6 =	vmmov $0x7f;
	vm7 =	vmmov $0xff;
	vm8 =	vmmov $0x1ff;
	_ =	strace $0x80000047;
	s12 =	ssub.s32 s9, s12;
	s8 =	sadd.s32 s0, s11  }
0x10: {  	vm9 =	vmmov $0x3ff;
	vm10 =	vmmov $0x7ff;
	vm11 =	vmmov $0xfff;
	s9 =	sadd.s32 s3, s11;
	s10 =	sadd.s32 s10, s11;
	s0 =	simm.s32 $0x180  }
0x11: {  	vm12 =	vmmov $0x1fff;
	vm13 =	vmmov $0x3fff;
	vm14 =	vmmov $0x7fff;
	s3 =	simm.s32 $0x1C00;
	s11 =	smax.u32 s12, $0x1;
	s12 =	simm.s32 $0x380  }
.LBB2_1:
0x12: {  	s23 =	simm.s32 $0x8400  }
0x13: {  	[tilespmem:s23], [sflag:$0x2] =	stream.linear.gather [hbm4b:s7+s1], $0x30, $0x38;
	[tilespmem:$0x8630] =	vst v63  }
0x14: {  	_ =	swait.ge [sflag:s13], $0x30  }
0x15: {  	[sflag:s13] =	ssyncset.done $0x0  }
0x16: {  	[sflag:s13] =	ssyncadd.s32 $0xFFFFFFD0  }
0x17: {  	[tilespmem:s1], [sflag:$0x2] =	stream.linear.gather [hbm4b:s8+s1], $0x200, $0x38;
	[tilespmem:$0x8630] =	vst v63  }
0x18: {  	_ =	swait.ge [sflag:s13], $0x200  }
0x19: {  	[sflag:s13] =	ssyncset.done $0x0  }
0x1a: {  	[sflag:s13] =	ssyncadd.s32 $0xFFFFFE00  }
0x1b: {  	[tilespmem:s14], [sflag:$0x2] =	stream.linear.gather [hbm4b:s9+s1], $0x200, $0x38;
	[tilespmem:$0x8630] =	vst v63  }
0x1c: {  	_ =	swait.ge [sflag:s13], $0x200  }
0x1d: {  	[sflag:s13] =	ssyncset.done $0x0  }
0x1e: {  	s24 =	simm.s32 $0x400;
	[sflag:s13] =	ssyncadd.s32 $0xFFFFFE00  }
0x1f: {  	[tilespmem:s24], [sflag:$0x1] =	stream.indirect.gather [hbm4b:s2+s15], $0x10, s1, s15, $0xb8;
	[tilespmem:$0x8630] =	vst v63  }
0x20: {  	s26 =	simm.s32 $0x2400  }
0x21: {  	[tilespmem:s26], [sflag:$0x1] =	stream.indirect.gather [hbm4b:s4+s15], $0x10, s14, s15, $0xb8;
	[tilespmem:$0x8630] =	vst v63  }
0x22: {  	s24 =	simm.s32 $0x4400  }
0x23: {  	[tilespmem:s24], [sflag:$0x1] =	stream.indirect.gather [hbm4b:s5+s15], $0x10, s1, s15, $0xb8;
	[tilespmem:$0x8630] =	vst v63  }
0x24: {  	s26 =	simm.s32 $0x6400  }
0x25: {  	[tilespmem:s26], [sflag:$0x1] =	stream.indirect.gather [hbm4b:s6+s15], $0x10, s14, s15, $0xb8;
	[tilespmem:$0x8630] =	vst v63  }
0x26: {  	s24 =	simm.s32 $0xC00  }
0x27: {  	[tilespmem:s24], [sflag:$0x1] =	stream.indirect.gather [hbm4b:s2+s15], $0x10, s15, s15, $0xb8;
	[tilespmem:$0x8630] =	vst v63  }
0x28: {  	s26 =	simm.s32 $0x2C00  }
0x29: {  	[tilespmem:s26], [sflag:$0x1] =	stream.indirect.gather [hbm4b:s4+s15], $0x10, s21, s15, $0xb8;
	[tilespmem:$0x8630] =	vst v63  }
0x2a: {  	s24 =	simm.s32 $0x4C00  }
0x2b: {  	[tilespmem:s24], [sflag:$0x1] =	stream.indirect.gather [hbm4b:s5+s15], $0x10, s15, s15, $0xb8;
	[tilespmem:$0x8630] =	vst v63  }
0x2c: {  	s26 =	simm.s32 $0x6C00  }
0x2d: {  	[tilespmem:s26], [sflag:$0x1] =	stream.indirect.gather [hbm4b:s6+s15], $0x10, s21, s15, $0xb8;
	[tilespmem:$0x8630] =	vst v63  }
0x2e: {  	s24 =	simm.s32 $0x1400  }
0x2f: {  	[tilespmem:s24], [sflag:$0x1] =	stream.indirect.gather [hbm4b:s2+s15], $0x10, s25, s15, $0xb8;
	[tilespmem:$0x8630] =	vst v63  }
0x30: {  	_ = 	snop  }
0x31: {  	[tilespmem:s29], [sflag:$0x1] =	stream.indirect.gather [hbm4b:s4+s15], $0x10, s28, s15, $0xb8;
	[tilespmem:$0x8630] =	vst v63  }
0x32: {  	_ = 	snop  }
0x33: {  	[tilespmem:s30], [sflag:$0x1] =	stream.indirect.gather [hbm4b:s5+s15], $0x10, s25, s15, $0xb8;
	[tilespmem:$0x8630] =	vst v63  }
0x34: {  	_ = 	snop  }
0x35: {  	[tilespmem:s31], [sflag:$0x1] =	stream.indirect.gather [hbm4b:s6+s15], $0x10, s28, s15, $0xb8;
	[tilespmem:$0x8630] =	vst v63  }
0x36: {  	_ = 	snop  }
0x37: {  	[tilespmem:s3], [sflag:$0x1] =	stream.indirect.gather [hbm4b:s2+s15], $0x10, s0, s15, $0xb8;
	[tilespmem:$0x8630] =	vst v63  }
0x38: {  	_ = 	snop  }
0x39: {  	[tilespmem:s16], [sflag:$0x1] =	stream.indirect.gather [hbm4b:s4+s15], $0x10, s12, s15, $0xb8;
	[tilespmem:$0x8630] =	vst v63  }
0x3a: {  	_ = 	snop  }
0x3b: {  	[tilespmem:s17], [sflag:$0x1] =	stream.indirect.gather [hbm4b:s5+s15], $0x10, s0, s15, $0xb8;
	[tilespmem:$0x8630] =	vst v63  }
0x3c: {  	_ = 	snop  }
0x3d: {  	[tilespmem:s18], [sflag:$0x1] =	stream.indirect.gather [hbm4b:s6+s15], $0x10, s12, s15, $0xb8;
	[tilespmem:$0x8630] =	vst v63  }
0x3e: {  	_ =	swait.ge [sflag:s19], $0x800  }
0x3f: {  	[sflag:s19] =	ssyncset.done $0x0  }
0x40: {  	[sflag:s19] =	ssyncadd.s32 $0xFFFFF800  }
0x41: {  	_ =	swait.ge [sflag:s19], $0x800  }
0x42: {  	[sflag:s19] =	ssyncset.done $0x0  }
0x43: {  	[sflag:s19] =	ssyncadd.s32 $0xFFFFF800  }
0x44: {  	_ =	swait.ge [sflag:s19], $0x800  }
0x45: {  	[sflag:s19] =	ssyncset.done $0x0  }
0x46: {  	[sflag:s19] =	ssyncadd.s32 $0xFFFFF800  }
0x47: {  	_ =	swait.ge [sflag:s19], $0x800  }
0x48: {  	[sflag:s19] =	ssyncset.done $0x0  }
0x49: {  	[sflag:s19] =	ssyncadd.s32 $0xFFFFF800  }
0x4a: {  	_ =	swait.ge [sflag:s19], $0x800  }
0x4b: {  	[sflag:s19] =	ssyncset.done $0x0  }
0x4c: {  	[sflag:s19] =	ssyncadd.s32 $0xFFFFF800  }
0x4d: {  	_ =	swait.ge [sflag:s19], $0x800  }
0x4e: {  	[sflag:s19] =	ssyncset.done $0x0  }
0x4f: {  	[sflag:s19] =	ssyncadd.s32 $0xFFFFF800  }
0x50: {  	_ =	swait.ge [sflag:s19], $0x800  }
0x51: {  	[sflag:s19] =	ssyncset.done $0x0  }
0x52: {  	[sflag:s19] =	ssyncadd.s32 $0xFFFFF800  }
0x53: {  	_ =	swait.ge [sflag:s19], $0x800  }
0x54: {  	[sflag:s19] =	ssyncset.done $0x0  }
0x55: {  	[sflag:s19] =	ssyncadd.s32 $0xFFFFF800  }
0x56: {  	_ =	swait.ge [sflag:s19], $0x800  }
0x57: {  	[sflag:s19] =	ssyncset.done $0x0  }
0x58: {  	[sflag:s19] =	ssyncadd.s32 $0xFFFFF800  }
0x59: {  	_ =	swait.ge [sflag:s19], $0x800  }
0x5a: {  	[sflag:s19] =	ssyncset.done $0x0  }
0x5b: {  	[sflag:s19] =	ssyncadd.s32 $0xFFFFF800  }
0x5c: {  	_ =	swait.ge [sflag:s19], $0x800  }
0x5d: {  	[sflag:s19] =	ssyncset.done $0x0  }
0x5e: {  	[sflag:s19] =	ssyncadd.s32 $0xFFFFF800  }
0x5f: {  	_ =	swait.ge [sflag:s19], $0x800  }
0x60: {  	[sflag:s19] =	ssyncset.done $0x0  }
0x61: {  	[sflag:s19] =	ssyncadd.s32 $0xFFFFF800  }
0x62: {  	_ =	swait.ge [sflag:s19], $0x800  }
0x63: {  	[sflag:s19] =	ssyncset.done $0x0  }
0x64: {  	[sflag:s19] =	ssyncadd.s32 $0xFFFFF800  }
0x65: {  	_ =	swait.ge [sflag:s19], $0x800  }
0x66: {  	[sflag:s19] =	ssyncset.done $0x0  }
0x67: {  	[sflag:s19] =	ssyncadd.s32 $0xFFFFF800  }
0x68: {  	_ =	swait.ge [sflag:s19], $0x800  }
0x69: {  	[sflag:s19] =	ssyncset.done $0x0  }
0x6a: {  	[sflag:s19] =	ssyncadd.s32 $0xFFFFF800  }
0x6b: {  	_ =	swait.ge [sflag:s19], $0x800  }
0x6c: {  	[sflag:s19] =	ssyncset.done $0x0  }
0x6d: {  	[sflag:s19] =	ssyncadd.s32 $0xFFFFF800  }
0x6e: {  	v1 =	vld [tilespmem:$0x8400]  }
0x6f: {  	s26 =	simm.s32 $0x0;
	v0 =	vld [tilespmem:$0x8410]  }
0x70: {  	v4 =	vld [tilespmem:s26+$0x4E0]  }
0x71: {  	v5 =	vld [tilespmem:s26+$0x24E0]  }
0x72: {  	v6 =	vld [tilespmem:s26+$0x44E0]  }
0x73: {  	v7 =	vld [tilespmem:s26+$0x64E0]  }
0x74: {  	v8 =	vld [tilespmem:s26+$0x4C0]  }
0x75: {  	v9 =	vld [tilespmem:s26+$0x24C0]  }
0x76: {  	v10 =	vld [tilespmem:s26+$0x44C0]  }
0x77: {  	v11 =	vld [tilespmem:s26+$0x64C0]  }
0x78: {  	v12 =	vld [tilespmem:s26+$0x4B0]  }
0x79: {  	v13 =	vld [tilespmem:s26+$0x24B0]  }
0x7a: {  	v14 =	vld [tilespmem:s26+$0x44B0]  }
0x7b: {  	v15 =	vld [tilespmem:s26+$0x64B0]  }
0x7c: {  	v16 =	vld [tilespmem:s26+$0x4A0]  }
0x7d: {  	v17 =	vld [tilespmem:s26+$0x490]  }
0x7e: {  	v18 =	vld [tilespmem:s26+$0x2490]  }
0x7f: {  	v19 =	vld [tilespmem:s26+$0x4490]  }
0x80: {  	v20 =	vld [tilespmem:s26+$0x6490]  }
0x81: {  	v21 =	vld [tilespmem:s26+$0x480]  }
0x82: {  	v22 =	vld [tilespmem:s26+$0x2480]  }
0x83: {  	v23 =	vld [tilespmem:s26+$0x4480]  }
0x84: {  	v24 =	vld [tilespmem:s26+$0x6480]  }
0x85: {  	v25 =	vld [tilespmem:s26+$0x470]  }
0x86: {  	v26 =	vld [tilespmem:s26+$0x460]  }
0x87: {  	v27 =	vld [tilespmem:s26+$0x2460]  }
0x88: {  	v28 =	vld [tilespmem:s26+$0x4460]  }
0x89: {  	v29 =	vld [tilespmem:s26+$0x6460]  }
0x8a: {  	v30 =	vld [tilespmem:s26+$0x450]  }
0x8b: {  	v31 =	vld [tilespmem:s26+$0x2450]  }
0x8c: {  	v32 =	vld [tilespmem:s26+$0x4450]  }
0x8d: {  	v33 =	vld [tilespmem:s26+$0x6450]  }
0x8e: {  	v34 =	vld [tilespmem:s26+$0x440]  }
0x8f: {  	v35 =	vld [tilespmem:s26+$0x430]  }
0x90: {  	v44 =	vld [tilespmem:s26+$0x400];
	v4 =	vmul.f32 v5, v4;
	v5 =	vmul.f32 v7, v6  }
0x91: {  	v46 =	vld [tilespmem:s26+$0x4400];
	v7 =	vmul.f32 v9, v8;
	v8 =	vmul.f32 v11, v10  }
0x92: {  	v48 =	vld [tilespmem:s26+$0x6400];
	v10 =	vmul.f32 v13, v12;
	v12 =	vmul.f32 v15, v14  }
0x93: {  	v50 =	vld [tilespmem:s26+$0x410];
	v14 =	vmul.f32 v18, v17;
	v17 =	vmul.f32 v20, v19  }
0x94: {  	v6 =	vld [tilespmem:s26+$0x2430];
	v19 =	vmul.f32 v22, v21;
	v21 =	vmul.f32 v24, v23  }
0x95: {  	v9 =	vld [tilespmem:s26+$0x4430];
	v23 =	vmul.f32 v27, v26;
	v45 =	vmul.f32 v29, v28  }
0x96: {  	v11 =	vld [tilespmem:s26+$0x6430];
	v47 =	vmul.f32 v31, v30;
	v49 =	vmul.f32 v33, v32  }
0x97: {  	v13 =	vld [tilespmem:s26+$0x420];
	v4 =	vmul.f32 v4, v1;
	v5 =	vmul.f32 v5, v0  }
0x98: {  	v15 =	vld [tilespmem:s26+$0x2420];
	v7 =	vmul.f32 v7, v1;
	v8 =	vmul.f32 v8, v0  }
0x99: {  	v18 =	vld [tilespmem:s26+$0x4420];
	v10 =	vmul.f32 v10, v1;
	v12 =	vmul.f32 v12, v0  }
0x9a: {  	v20 =	vld [tilespmem:s26+$0x6420];
	v14 =	vmul.f32 v14, v1;
	v17 =	vmul.f32 v17, v0  }
0x9b: {  	v51 =	vld [tilespmem:s26+$0x2410];
	v19 =	vmul.f32 v19, v1;
	v21 =	vmul.f32 v21, v0  }
0x9c: {  	v22 =	vld [tilespmem:s26+$0x2400];
	v23 =	vmul.f32 v23, v1;
	v4 =	vadd.f32 v5, v4;
	v5 =	vmul.f32 v45, v0  }
0x9d: {  	v7 =	vadd.f32 v8, v7;
	v8 =	vmul.f32 v47, v1;
	v9 =	vmul.f32 v11, v9;
	v11 =	vld [tilespmem:s26+$0x4410]  }
0x9e: {  	v6 =	vmul.f32 v6, v35;
	v13 =	vmul.f32 v15, v13;
	v15 =	vld [tilespmem:s26+$0x6410]  }
0x9f: {  	(xrf2) =	vadd.scan.msk.f32 $0xffff, v4;
	v4 =	vadd.f32 v12, v10;
	v10 =	vmul.f32 v49, v0;
	v12 =	vmul.f32 v20, v18;
	v18 =	vld [tilespmem:s26+$0x2440]  }
0xa0: {  	(xrf2) =	vadd.scan.msk.f32 $0xffff, v7;
	v7 =	vadd.f32 v17, v14;
	v6 =	vmul.f32 v6, v1;
	v9 =	vmul.f32 v9, v0;
	v14 =	vld [tilespmem:s26+$0x4440]  }
0xa1: {  	v13 =	vmul.f32 v13, v1;
	v17 =	vld [tilespmem:s26+$0x6440];
	(xrf2) =	vadd.scan.msk.f32 $0xffff, v4;
	v4 =	vadd.f32 v21, v19;
	v12 =	vmul.f32 v12, v0  }
0xa2: {  	v5 =	vadd.f32 v5, v23;
	v20 =	vld [tilespmem:s26+$0x2470];
	v19 =	vmul.f32 v48, v46;
	(xrf2) =	vadd.scan.msk.f32 $0xffff, v7;
	v7 =	vmul.f32 v22, v44  }
0xa3: {  	(xrf2) =	vadd.scan.msk.f32 $0xffff, v4;
	v4 =	vadd.f32 v10, v8;
	v8 =	vmul.f32 v51, v50;
	v10 =	vmul.f32 v15, v11;
	v11 =	vld [tilespmem:s26+$0x4470]  }
0xa4: {  	(xrf2) =	vadd.scan.msk.f32 $0xffff, v5;
	v5 =	vadd.f32 v9, v6;
	v6 =	vmul.f32 v7, v1;
	v7 =	vmul.f32 v19, v0;
	v9 =	vld [tilespmem:s26+$0x6470]  }
0xa5: {  	(xrf2) =	vadd.scan.msk.f32 $0xffff, v4;
	v4 =	vadd.f32 v12, v13;
	v8 =	vmul.f32 v8, v1;
	v10 =	vmul.f32 v10, v0;
	v12 =	vld [tilespmem:s26+$0x24A0]  }
0xa6: {  	v13 =	vld [tilespmem:s26+$0x44A0];
	(xrf2) =	vadd.scan.msk.f32 $0xffff, v5;
	v5 =	vadd.f32 v7, v6;
	v6 =	vmul.f32 v18, v34;
	v7 =	vmul.f32 v17, v14  }
0xa7: {  	(xrf2) =	vadd.scan.msk.f32 $0xffff, v4;
	v4 =	vadd.f32 v10, v8;
	v8 =	vld [tilespmem:s26+$0x64A0]  }
0xa8: {  	(xrf2) =	vadd.scan.msk.f32 $0xffff, v5;
	v5 =	vmul.f32 v6, v1;
	v6 =	vmul.f32 v7, v0  }
0xa9: {  	v14 =	vmul.f32 v20, v25  }
0xaa: {  	v10, _, _ =	vpop (xrf2);
	v9 =	vmul.f32 v9, v11;
	(xrf2) =	vadd.scan.msk.f32 $0xffff, v4;
	v5 =	vadd.f32 v6, v5  }
0xab: {  	v3 =	vld [tilespmem:s26+$0x4D0];
	v14 =	vmul.f32 v14, v1;
	v12 =	vmul.f32 v12, v16;
	v4, _, _ =	vpop (xrf2)  }
0xac: {  	v7 =	vld [tilespmem:s26+$0x24D0];
	v9 =	vmul.f32 v9, v0;
	v15, _, _ =	vpop (xrf2);
	v8 =	vmul.f32 v8, v13  }
0xad: {  	v11 =	vld [tilespmem:s26+$0x44D0];
	v18, _, _ =	vpop (xrf2)  }
0xae: {  	v6 =	vld [tilespmem:s26+$0x64D0];
	(xrf2) =	vadd.scan.msk.f32 $0xffff, v5;
	v12 =	vmul.f32 v12, v1;
	v9 =	vadd.f32 v9, v14;
	v5, _, _ =	vpop (xrf2);
	v8 =	vmul.f32 v8, v0  }
0xaf: {  	v14, _, _ =	vpop (xrf2)  }
0xb0: {  	v19, _, _ =	vpop (xrf2);
	v8 =	vadd.f32 v8, v12  }
0xb1: {  	v2 =	vld [tilespmem:s26+$0x4F0];
	v3 =	vmul.f32 v7, v3;
	v7, _, _ =	vpop (xrf2)  }
0xb2: {  	v17 =	vld [tilespmem:s26+$0x24F0];
	(xrf2) =	vadd.scan.msk.f32 $0xffff, v9;
	v9, _, _ =	vpop (xrf2)  }
0xb3: {  	v16 =	vld [tilespmem:s26+$0x64F0];
	v6 =	vmul.f32 v6, v11;
	v11, _, _ =	vpop (xrf2)  }
0xb4: {  	v13 =	vld [tilespmem:s26+$0x44F0];
	v3 =	vmul.f32 v3, v1;
	(xrf2) =	vadd.scan.msk.f32 $0xffff, v8;
	v8, _, _ =	vpop (xrf2)  }
0xb5: {  	v6 =	vmul.f32 v6, v0;
	v8 =	vbroadcast v8, $0xF;
	_ =	sdelay $0x1  }
0xb6: {  	v2 =	vmul.f32 v17, v2;
	v3 =	vadd.f32 v6, v3;
	v11 =	vbroadcast v11, $0xF;
	_ =	sdelay $0x1  }
0xb7: {  	v2 =	vmul.f32 v2, v1;
	v6 =	vmul.f32 v16, v13;
	(xrf2) =	vadd.scan.msk.f32 $0xffff, v3;
	v3 =	vsel vm0, v11, v8;
	v8, _, _ =	vpop (xrf2)  }
0xb8: {  	v9 =	vbroadcast v9, $0xF;
	v8 =	vbroadcast v8, $0xF  }
0xb9: {  	v7 =	vbroadcast v7, $0xF;
	v6 =	vmul.f32 v6, v0  }
0xba: {  	v3 =	vsel vm1, v3, v9  }
0xbb: {  	v2 =	vadd.f32 v6, v2;
	v6 =	vbroadcast v19, $0xF;
	v3 =	vsel vm2, v3, v7  }
0xbc: {  	v7 =	vbroadcast v14, $0xF;
	v3 =	vsel vm3, v3, v8;
	v8, _, _ =	vpop (xrf2)  }
0xbd: {  	(xrf2) =	vadd.scan.msk.f32 $0xffff, v2;
	v2 =	vsel vm4, v3, v6;
	v3 =	vbroadcast v8, $0xF  }
0xbe: {  	v5 =	vbroadcast v5, $0xF;
	v2 =	vsel vm5, v2, v7  }
0xbf: {  	v6, _, _ =	vpop (xrf2);
	v2 =	vsel vm6, v2, v3;
	v3 =	vbroadcast v18, $0xF  }
0xc0: {  	v2 =	vsel vm7, v2, v5;
	v5 =	vbroadcast v6, $0xF  }
0xc1: {  	v2 =	vsel vm8, v2, v3;
	v3 =	vbroadcast v15, $0xF  }
0xc2: {  	v4 =	vbroadcast v4, $0xF;
	v5 =	vsel vm9, v2, v5  }
0xc3: {  	v3 =	vsel vm10, v5, v3  }
0xc4: {  	v6, _, _ =	vpop (xrf2);
	v3 =	vsel vm11, v3, v4;
	v4 =	vbroadcast v10, $0xF  }
0xc5: {  	v2 =	vld [tilespmem:$0x8420];
	v5 =	vbroadcast v6, $0xF;
	_ =	sdelay $0x1  }
0xc6: {  	v3 =	vsel vm12, v3, v5  }
0xc7: {  	v3 =	vsel vm13, v3, v4;
	v4, _, _ =	vpop (xrf2)  }
0xc8: {  	v3 =	vsel vm14, v3, v4  }
0xc9: {  	v3 =	vadd.f32 v3, v2;
	_ =	sdelay $0x1  }
0xca: {  	v3 =	vmax.f32 v3, $0.0e+00  }
0xcb: {  	s24 =	simm.s32 $0x100;
	[tilespmem:s20+$0x0] =	vst v3  }
0xcc: {  	v3 =	vld [tilespmem:s24+$0x4F0]  }
0xcd: {  	v6 =	vld [tilespmem:s24+$0x4E0]  }
0xce: {  	v7 =	vld [tilespmem:s24+$0x24E0]  }
0xcf: {  	v9 =	vld [tilespmem:s24+$0x44E0]  }
0xd0: {  	v10 =	vld [tilespmem:s24+$0x64E0]  }
0xd1: {  	v4 =	vld [tilespmem:s24+$0x4D0]  }
0xd2: {  	v11 =	vld [tilespmem:s24+$0x4C0]  }
0xd3: {  	v12 =	vld [tilespmem:s24+$0x24C0]  }
0xd4: {  	v13 =	vld [tilespmem:s24+$0x44C0]  }
0xd5: {  	v14 =	vld [tilespmem:s24+$0x64C0]  }
0xd6: {  	v15 =	vld [tilespmem:s24+$0x4B0]  }
0xd7: {  	v16 =	vld [tilespmem:s24+$0x24B0]  }
0xd8: {  	v17 =	vld [tilespmem:s24+$0x44B0]  }
0xd9: {  	v18 =	vld [tilespmem:s24+$0x64B0]  }
0xda: {  	v5 =	vld [tilespmem:s24+$0x4A0]  }
0xdb: {  	v19 =	vld [tilespmem:s24+$0x490]  }
0xdc: {  	v20 =	vld [tilespmem:s24+$0x2490]  }
0xdd: {  	v21 =	vld [tilespmem:s24+$0x4490]  }
0xde: {  	v22 =	vld [tilespmem:s24+$0x6490]  }
0xdf: {  	v23 =	vld [tilespmem:s24+$0x480]  }
0xe0: {  	v52 =	vld [tilespmem:s24+$0x2480]  }
0xe1: {  	v53 =	vld [tilespmem:s24+$0x4480]  }
0xe2: {  	v54 =	vld [tilespmem:s24+$0x6480]  }
0xe3: {  	v8 =	vld [tilespmem:s24+$0x470]  }
0xe4: {  	v55 =	vld [tilespmem:s24+$0x460]  }
0xe5: {  	v56 =	vld [tilespmem:s24+$0x2460];
	v6 =	vmul.f32 v7, v6;
	v9 =	vmul.f32 v10, v9  }
0xe6: {  	v57 =	vld [tilespmem:s24+$0x4460];
	v10 =	vmul.f32 v12, v11;
	v11 =	vmul.f32 v14, v13  }
0xe7: {  	v58 =	vld [tilespmem:s24+$0x450];
	v6 =	vmul.f32 v6, v1;
	v9 =	vmul.f32 v9, v0  }
0xe8: {  	v60 =	vld [tilespmem:s24+$0x6420];
	v14 =	vmul.f32 v16, v15;
	v15 =	vmul.f32 v18, v17  }
0xe9: {  	v7 =	vld [tilespmem:s24+$0x6460];
	v17 =	vmul.f32 v10, v1;
	v11 =	vmul.f32 v11, v0;
	v6 =	vadd.f32 v9, v6  }
0xea: {  	v12 =	vld [tilespmem:s24+$0x2450];
	v9 =	vmul.f32 v14, v1;
	v14 =	vmul.f32 v15, v0  }
0xeb: {  	v13 =	vld [tilespmem:s24+$0x4450];
	v11 =	vadd.f32 v11, v17;
	(xrf2) =	vadd.scan.msk.f32 $0xffff, v6  }
0xec: {  	v16 =	vld [tilespmem:s24+$0x6450];
	v15 =	vmul.f32 v22, v21;
	v6 =	vadd.f32 v14, v9;
	v14 =	vmul.f32 v20, v19  }
0xed: {  	v18 =	vld [tilespmem:s24+$0x430];
	(xrf2) =	vadd.scan.msk.f32 $0xffff, v11  }
0xee: {  	v10 =	vld [tilespmem:s24+$0x440];
	(xrf2) =	vadd.scan.msk.f32 $0xffff, v6;
	v6 =	vmul.f32 v14, v1;
	v14 =	vmul.f32 v15, v0  }
0xef: {  	v17 =	vld [tilespmem:s24+$0x2430];
	v20 =	vmul.f32 v54, v53;
	v11 =	vmul.f32 v52, v23  }
0xf0: {  	v21 =	vld [tilespmem:s24+$0x420];
	v6 =	vadd.f32 v14, v6  }
0xf1: {  	v9 =	vld [tilespmem:s24+$0x4430];
	v20 =	vmul.f32 v20, v0;
	v15 =	vmul.f32 v11, v1  }
0xf2: {  	v59 =	vmul.f32 v56, v55;
	v7 =	vmul.f32 v7, v57;
	v19 =	vld [tilespmem:s24+$0x6430];
	(xrf2) =	vadd.scan.msk.f32 $0xffff, v6  }
0xf3: {  	v22 =	vld [tilespmem:s24+$0x2420];
	v61 =	vmul.f32 v12, v58;
	v16 =	vmul.f32 v16, v13;
	v20 =	vadd.f32 v20, v15  }
0xf4: {  	v12 =	vld [tilespmem:s24+$0x400];
	v7 =	vmul.f32 v7, v0;
	v14 =	vmul.f32 v59, v1  }
0xf5: {  	v13 =	vld [tilespmem:s24+$0x4400];
	v6, _, _ =	vpop (xrf2);
	(xrf2) =	vadd.scan.msk.f32 $0xffff, v20  }
0xf6: {  	v23 =	vld [tilespmem:s24+$0x4420];
	v62 =	vmul.f32 v61, v1;
	v16 =	vmul.f32 v16, v0;
	v63 =	vadd.f32 v7, v14  }
0xf7: {  	v11 =	vld [tilespmem:s24+$0x2400];
	v9 =	vmul.f32 v19, v9  }
0xf8: {  	v17 =	vmul.f32 v17, v18;
	v24 =	vadd.f32 v16, v62;
	v16 =	vld [tilespmem:s24+$0x2410];
	v7, _, _ =	vpop (xrf2);
	(xrf2) =	vadd.scan.msk.f32 $0xffff, v63  }
0xf9: {  	v15 =	vld [tilespmem:s24+$0x6400]  }
0xfa: {  	v18 =	vmul.f32 v17, v1;
	v17 =	vld [tilespmem:s24+$0x4410];
	v19 =	vmul.f32 v9, v0  }
0xfb: {  	s23 =	simm.s32 $0x8430;
	s26 =	simm.s32 $0x800;
	v21 =	vmul.f32 v22, v21;
	v14 =	vld [tilespmem:s24+$0x410];
	v20 =	vmul.f32 v60, v23;
	v9, _, _ =	vpop (xrf2);
	(xrf2) =	vadd.scan.msk.f32 $0xffff, v24  }
.LBB2_2:
0xfc: {  	p0 =	sne.s32 s26, $0x7C00;
	v22 =	vld [tilespmem:s24+$0x6410];
	v18 =	vadd.f32 v19, v18;
	v19, _, _ =	vpop (xrf2)  }
0xfd: {  	v21 =	vmul.f32 v21, v1;
	v24 =	vmul.f32 v20, v0;
	v23 =	vld [tilespmem:s24+$0x2440]  }
0xfe: {  	v11 =	vmul.f32 v11, v12;
	v12 =	vmul.f32 v15, v13;
	v13 =	vld [tilespmem:s24+$0x4440];
	(xrf2) =	vadd.scan.msk.f32 $0xffff, v18  }
0xff: {  	v24 =	vadd.f32 v24, v21;
	v18 =	vld [tilespmem:s24+$0x6440];
	v20, _, _ =	vpop (xrf2)  }
0x100: {  	v11 =	vmul.f32 v11, v1;
	v12 =	vmul.f32 v12, v0;
	v21 =	vld [tilespmem:s24+$0x2470]  }
0x101: {  	v14 =	vmul.f32 v16, v14;
	v16 =	vmul.f32 v22, v17;
	v17 =	vld [tilespmem:s24+$0x4470];
	(xrf2) =	vadd.scan.msk.f32 $0xffff, v24  }
0x102: {  	v11 =	vadd.f32 v12, v11;
	v12 =	vld [tilespmem:s24+$0x6470];
	v15, _, _ =	vpop (xrf2)  }
0x103: {  	v14 =	vmul.f32 v14, v1;
	v24 =	vmul.f32 v16, v0;
	v22 =	vld [tilespmem:s24+$0x24A0]  }
0x104: {  	v10 =	vmul.f32 v23, v10;
	v13 =	vmul.f32 v18, v13;
	v18 =	vld [tilespmem:s24+$0x44A0];
	(xrf2) =	vadd.scan.msk.f32 $0xffff, v11  }
0x105: {  	v11 =	vadd.f32 v24, v14;
	v14 =	vld [tilespmem:s24+$0x64A0];
	v16, _, _ =	vpop (xrf2)  }
0x106: {  	v10 =	vmul.f32 v10, v1;
	v24 =	vmul.f32 v13, v0;
	v23 =	vld [tilespmem:s24+$0x24D0]  }
0x107: {  	v8 =	vmul.f32 v21, v8;
	v12 =	vmul.f32 v12, v17;
	v17 =	vld [tilespmem:s24+$0x44D0];
	(xrf2) =	vadd.scan.msk.f32 $0xffff, v11  }
0x108: {  	v10 =	vadd.f32 v24, v10;
	v11 =	vld [tilespmem:s24+$0x64D0];
	v13, _, _ =	vpop (xrf2)  }
0x109: {  	v8 =	vmul.f32 v8, v1;
	v24 =	vmul.f32 v12, v0;
	v21 =	vld [tilespmem:s24+$0x24F0]  }
0x10a: {  	v5 =	vmul.f32 v22, v5;
	v14 =	vmul.f32 v14, v18;
	(xrf2) =	vadd.scan.msk.f32 $0xffff, v10  }
0x10b: {  	v22 =	vadd.f32 v24, v8;
	v10 =	vld [tilespmem:s24+$0x44F0];
	v12, _, _ =	vpop (xrf2)  }
0x10c: {  	v5 =	vmul.f32 v5, v1;
	v14 =	vmul.f32 v14, v0;
	v18 =	vld [tilespmem:s24+$0x64F0]  }
0x10d: {  	v4 =	vmul.f32 v23, v4;
	v11 =	vmul.f32 v11, v17;
	(xrf2) =	vadd.scan.msk.f32 $0xffff, v22  }
0x10e: {  	v5 =	vadd.f32 v14, v5;
	v3 =	vmul.f32 v21, v3;
	v8, _, _ =	vpop (xrf2)  }
0x10f: {  	v4 =	vmul.f32 v4, v1;
	v11 =	vmul.f32 v11, v0  }
0x110: {  	(xrf2) =	vadd.scan.msk.f32 $0xffff, v5  }
0x111: {  	v3 =	vmul.f32 v3, v1;
	v4 =	vadd.f32 v11, v4;
	v5 =	vmul.f32 v18, v10;
	v10, _, _ =	vpop (xrf2)  }
0x112: {  	v8 =	vbroadcast v8, $0xF;
	v14 =	vbroadcast v10, $0xF  }
0x113: {  	v11 =	vbroadcast v12, $0xF;
	v5 =	vmul.f32 v5, v0;
	(xrf2) =	vadd.scan.msk.f32 $0xffff, v4  }
0x114: {  	v4 =	vsel vm0, v8, v14;
	v8 =	vbroadcast v13, $0xF;
	v10, _, _ =	vpop (xrf2)  }
0x115: {  	v4 =	vsel vm1, v4, v11;
	v11 =	vbroadcast v10, $0xF;
	v3 =	vadd.f32 v5, v3  }
0x116: {  	v5 =	vbroadcast v16, $0xF;
	v4 =	vsel vm2, v4, v8  }
0x117: {  	v4 =	vsel vm3, v4, v11;
	v11 =	vbroadcast v15, $0xF;
	v10, _, _ =	vpop (xrf2);
	(xrf2) =	vadd.scan.msk.f32 $0xffff, v3  }
0x118: {  	v3 =	vsel vm4, v4, v5;
	v4 =	vbroadcast v10, $0xF  }
0x119: {  	v5 =	vbroadcast v20, $0xF;
	v3 =	vsel vm5, v3, v11  }
0x11a: {  	v3 =	vsel vm6, v3, v4;
	v4 =	vbroadcast v19, $0xF;
	v8, _, _ =	vpop (xrf2)  }
0x11b: {  	v3 =	vsel vm7, v3, v5;
	v5 =	vbroadcast v8, $0xF  }
0x11c: {  	v3 =	vsel vm8, v3, v4;
	v4 =	vbroadcast v9, $0xF  }
0x11d: {  	v3 =	vsel vm9, v3, v5;
	v5 =	vbroadcast v7, $0xF;
	v7, _, _ =	vpop (xrf2)  }
0x11e: {  	v3 =	vsel vm10, v3, v4;
	v7 =	vbroadcast v7, $0xF  }
0x11f: {  	v3 =	vsel vm11, v3, v5;
	v5 =	vbroadcast v6, $0xF  }
0x120: {  	v3 =	vsel vm12, v3, v7  }
0x121: {  	v3 =	vsel vm13, v3, v5;
	v4, _, _ =	vpop (xrf2)  }
0x122: {  	v3 =	vsel vm14, v3, v4  }
0x123: {  	v3 =	vadd.f32 v3, v2;
	_ =	sdelay $0x1  }
0x124: {  	s23 =	sadd.s32 $0x10, s23;
	v3 =	vmax.f32 v3, $0.0e+00  }
0x125: {  	s24 =	sshra.s32 s26, $0x2;
	[tilespmem:s23+$0x0] =	vst v3  }
0x126: {  	v3 =	vld [tilespmem:s24+$0x4F0]  }
0x127: {  	v6 =	vld [tilespmem:s24+$0x4E0]  }
0x128: {  	v7 =	vld [tilespmem:s24+$0x24E0]  }
0x129: {  	v9 =	vld [tilespmem:s24+$0x44E0]  }
0x12a: {  	v10 =	vld [tilespmem:s24+$0x64E0]  }
0x12b: {  	v4 =	vld [tilespmem:s24+$0x4D0]  }
0x12c: {  	v11 =	vld [tilespmem:s24+$0x4C0]  }
0x12d: {  	v12 =	vld [tilespmem:s24+$0x24C0]  }
0x12e: {  	v13 =	vld [tilespmem:s24+$0x44C0]  }
0x12f: {  	v14 =	vld [tilespmem:s24+$0x64C0]  }
0x130: {  	v15 =	vld [tilespmem:s24+$0x4B0]  }
0x131: {  	v16 =	vld [tilespmem:s24+$0x24B0]  }
0x132: {  	v17 =	vld [tilespmem:s24+$0x44B0]  }
0x133: {  	v18 =	vld [tilespmem:s24+$0x64B0]  }
0x134: {  	v5 =	vld [tilespmem:s24+$0x4A0]  }
0x135: {  	v19 =	vld [tilespmem:s24+$0x490]  }
0x136: {  	v20 =	vld [tilespmem:s24+$0x2490]  }
0x137: {  	v21 =	vld [tilespmem:s24+$0x4490]  }
0x138: {  	v22 =	vld [tilespmem:s24+$0x6490]  }
0x139: {  	v23 =	vld [tilespmem:s24+$0x480]  }
0x13a: {  	v24 =	vld [tilespmem:s24+$0x2480]  }
0x13b: {  	v25 =	vld [tilespmem:s24+$0x4480]  }
0x13c: {  	v26 =	vld [tilespmem:s24+$0x6480]  }
0x13d: {  	v6 =	vmul.f32 v7, v6;
	v7 =	vmul.f32 v10, v9;
	v8 =	vld [tilespmem:s24+$0x470]  }
0x13e: {  	v9 =	vld [tilespmem:s24+$0x460]  }
0x13f: {  	v6 =	vmul.f32 v6, v1;
	v7 =	vmul.f32 v7, v0;
	v27 =	vld [tilespmem:s24+$0x2460]  }
0x140: {  	v10 =	vmul.f32 v12, v11;
	v11 =	vmul.f32 v14, v13;
	v28 =	vld [tilespmem:s24+$0x4460]  }
0x141: {  	v6 =	vadd.f32 v7, v6;
	v12 =	vld [tilespmem:s24+$0x6460]  }
0x142: {  	v10 =	vmul.f32 v10, v1;
	v11 =	vmul.f32 v11, v0;
	v7 =	vld [tilespmem:s24+$0x450]  }
0x143: {  	v14 =	vmul.f32 v16, v15;
	v15 =	vmul.f32 v18, v17;
	v13 =	vld [tilespmem:s24+$0x2450];
	(xrf2) =	vadd.scan.msk.f32 $0xffff, v6  }
0x144: {  	v6 =	vadd.f32 v11, v10;
	v16 =	vld [tilespmem:s24+$0x4450]  }
0x145: {  	v11 =	vmul.f32 v14, v1;
	v14 =	vmul.f32 v15, v0;
	v17 =	vld [tilespmem:s24+$0x6450]  }
0x146: {  	v18 =	vmul.f32 v22, v21;
	v15 =	vmul.f32 v20, v19;
	v10 =	vld [tilespmem:s24+$0x440];
	(xrf2) =	vadd.scan.msk.f32 $0xffff, v6  }
0x147: {  	v6 =	vadd.f32 v14, v11;
	v19 =	vld [tilespmem:s24+$0x430]  }
0x148: {  	v11 =	vmul.f32 v15, v1;
	v15 =	vmul.f32 v18, v0;
	v14 =	vld [tilespmem:s24+$0x2430]  }
0x149: {  	v21 =	vmul.f32 v26, v25;
	v20 =	vmul.f32 v24, v23;
	v18 =	vld [tilespmem:s24+$0x4430];
	(xrf2) =	vadd.scan.msk.f32 $0xffff, v6  }
0x14a: {  	v25 =	vadd.f32 v15, v11;
	v22 =	vld [tilespmem:s24+$0x6430]  }
0x14b: {  	v11 =	vmul.f32 v20, v1;
	v15 =	vmul.f32 v21, v0;
	v23 =	vld [tilespmem:s24+$0x420]  }
0x14c: {  	v9 =	vmul.f32 v27, v9;
	v12 =	vmul.f32 v12, v28;
	v20 =	vld [tilespmem:s24+$0x2420];
	(xrf2) =	vadd.scan.msk.f32 $0xffff, v25  }
0x14d: {  	v15 =	vadd.f32 v15, v11;
	v24 =	vld [tilespmem:s24+$0x4420];
	v6, _, _ =	vpop (xrf2)  }
0x14e: {  	v9 =	vmul.f32 v9, v1;
	v21 =	vmul.f32 v12, v0;
	v25 =	vld [tilespmem:s24+$0x6420]  }
0x14f: {  	v26 =	vmul.f32 v13, v7;
	v16 =	vmul.f32 v17, v16;
	v11 =	vld [tilespmem:s24+$0x2400];
	(xrf2) =	vadd.scan.msk.f32 $0xffff, v15  }
0x150: {  	v27 =	vadd.f32 v21, v9;
	v12 =	vld [tilespmem:s24+$0x400];
	v7, _, _ =	vpop (xrf2)  }
.Ltmp0:
0x151: {  	v17 =	vmul.f32 v26, v1;
	v16 =	vmul.f32 v16, v0;
	v13 =	vld [tilespmem:s24+$0x4400];
	(pc) =	sbr.rel @p0 .LBB2_2-.Ltmp0, $4  }
0x152: {  	v19 =	vmul.f32 v14, v19;
	v21 =	vmul.f32 v22, v18;
	v15 =	vld [tilespmem:s24+$0x6400];
	(xrf2) =	vadd.scan.msk.f32 $0xffff, v27  }
0x153: {  	v22 =	vadd.f32 v16, v17;
	v14 =	vld [tilespmem:s24+$0x410];
	v9, _, _ =	vpop (xrf2)  }
0x154: {  	v18 =	vmul.f32 v19, v1;
	v19 =	vmul.f32 v21, v0;
	v16 =	vld [tilespmem:s24+$0x2410]  }
0x155: {  	s26 =	sadd.s32 $0x400, s26;
	v21 =	vmul.f32 v20, v23;
	v20 =	vmul.f32 v25, v24;
	v17 =	vld [tilespmem:s24+$0x4410];
	(xrf2) =	vadd.scan.msk.f32 $0xffff, v22  }
0x156: {  	v22 =	vld [tilespmem:s24+$0x6410]  }
0x157: {  	v23 =	vld [tilespmem:s24+$0x2440]  }
0x158: {  	v24 =	vld [tilespmem:s24+$0x4440]  }
0x159: {  	v11 =	vmul.f32 v11, v12;
	v58 =	vld [tilespmem:s24+$0x6440];
	v57 =	vmul.f32 v15, v13  }
0x15a: {  	v60 =	vld [tilespmem:s24+$0x2470];
	v59 =	vmul.f32 v21, v1;
	v20 =	vmul.f32 v20, v0  }
0x15b: {  	v61 =	vld [tilespmem:s24+$0x4470];
	v14 =	vmul.f32 v16, v14;
	v17 =	vmul.f32 v22, v17  }
0x15c: {  	v18 =	vadd.f32 v19, v18;
	v62 =	vld [tilespmem:s24+$0x6470];
	v11 =	vmul.f32 v11, v1;
	v12 =	vmul.f32 v57, v0  }
0x15d: {  	v63 =	vld [tilespmem:s24+$0x24A0];
	v15 =	vadd.f32 v20, v59;
	v14 =	vmul.f32 v14, v1;
	v17 =	vmul.f32 v17, v0  }
0x15e: {  	(xrf2) =	vadd.scan.msk.f32 $0xffff, v18;
	v11 =	vadd.f32 v12, v11;
	v10 =	vmul.f32 v23, v10;
	v18 =	vmul.f32 v58, v24;
	v22 =	vld [tilespmem:s24+$0x44A0]  }
0x15f: {  	(xrf2) =	vadd.scan.msk.f32 $0xffff, v15;
	v23 =	vld [tilespmem:s24+$0x64A0];
	v14 =	vadd.f32 v17, v14  }
0x160: {  	v25 =	vld [tilespmem:s24+$0x24D0];
	(xrf2) =	vadd.scan.msk.f32 $0xffff, v11;
	v10 =	vmul.f32 v10, v1;
	v24 =	vmul.f32 v18, v0  }
0x161: {  	v27 =	vld [tilespmem:s24+$0x44D0];
	v8 =	vmul.f32 v60, v8;
	v26 =	vmul.f32 v62, v61;
	(xrf2) =	vadd.scan.msk.f32 $0xffff, v14  }
0x162: {  	v28 =	vld [tilespmem:s24+$0x64D0];
	v10 =	vadd.f32 v24, v10  }
0x163: {  	v30 =	vld [tilespmem:s24+$0x24F0];
	v8 =	vmul.f32 v8, v1;
	v29 =	vmul.f32 v26, v0  }
0x164: {  	v31, _, _ =	vpop (xrf2);
	v5 =	vmul.f32 v63, v5;
	v13 =	vmul.f32 v23, v22;
	(xrf2) =	vadd.scan.msk.f32 $0xffff, v10  }
0x165: {  	v33 =	vld [tilespmem:s24+$0x44F0];
	v32, _, _ =	vpop (xrf2);
	v8 =	vadd.f32 v29, v8  }
0x166: {  	v35 =	vld [tilespmem:s24+$0x64F0];
	v34, _, _ =	vpop (xrf2);
	v5 =	vmul.f32 v5, v1;
	v13 =	vmul.f32 v13, v0  }
0x167: {  	v4 =	vmul.f32 v25, v4;
	v11 =	vmul.f32 v28, v27;
	v36, _, _ =	vpop (xrf2);
	(xrf2) =	vadd.scan.msk.f32 $0xffff, v8  }
0x168: {  	v3 =	vmul.f32 v30, v3;
	v37, _, _ =	vpop (xrf2);
	v5 =	vadd.f32 v13, v5  }
0x169: {  	v4 =	vmul.f32 v4, v1;
	v11 =	vmul.f32 v11, v0;
	v38, _, _ =	vpop (xrf2)  }
0x16a: {  	(xrf2) =	vadd.scan.msk.f32 $0xffff, v5;
	v39, _, _ =	vpop (xrf2)  }
0x16b: {  	v41 =	vmul.f32 v35, v33;
	v40 =	vmul.f32 v3, v1;
	v4 =	vadd.f32 v11, v4;
	v42, _, _ =	vpop (xrf2)  }
0x16c: {  	v43 =	vbroadcast v39, $0xF;
	v5 =	vbroadcast v42, $0xF  }
0x16d: {  	v44 =	vmul.f32 v41, v0;
	v12 =	vbroadcast v38, $0xF;
	(xrf2) =	vadd.scan.msk.f32 $0xffff, v4  }
0x16e: {  	v46 =	vbroadcast v37, $0xF;
	v47, _, _ =	vpop (xrf2);
	v45 =	vsel vm0, v43, v5  }
0x16f: {  	v0 =	vadd.f32 v44, v40;
	v5 =	vbroadcast v47, $0xF;
	v3 =	vsel vm1, v45, v12  }
0x170: {  	v49 =	vbroadcast v36, $0xF;
	v48 =	vsel vm2, v3, v46  }
0x171: {  	v50 =	vbroadcast v34, $0xF;
	(xrf2) =	vadd.scan.msk.f32 $0xffff, v0;
	v51, _, _ =	vpop (xrf2);
	v1 =	vsel vm3, v48, v5  }
0x172: {  	v53 =	vbroadcast v51, $0xF;
	v52 =	vsel vm4, v1, v49  }
0x173: {  	v54 =	vbroadcast v32, $0xF;
	v0 =	vsel vm5, v52, v50  }
0x174: {  	v55 =	vbroadcast v31, $0xF;
	v56, _, _ =	vpop (xrf2);
	v0 =	vsel vm6, v0, v53  }
0x175: {  	v57 =	vbroadcast v56, $0xF;
	v0 =	vsel vm7, v0, v54  }
0x176: {  	v58 =	vbroadcast v9, $0xF;
	v0 =	vsel vm8, v0, v55  }
0x177: {  	v59 =	vbroadcast v7, $0xF;
	v60, _, _ =	vpop (xrf2);
	v0 =	vsel vm9, v0, v57  }
0x178: {  	v61 =	vbroadcast v60, $0xF;
	v0 =	vsel vm10, v0, v58  }
0x179: {  	v62 =	vbroadcast v6, $0xF;
	v0 =	vsel vm11, v0, v59  }
0x17a: {  	v0 =	vsel vm12, v0, v61  }
0x17b: {  	v63, _, _ =	vpop (xrf2);
	v0 =	vsel vm13, v0, v62  }
0x17c: {  	v0 =	vsel vm14, v0, v63  }
0x17d: {  	v0 =	vadd.f32 v0, v2  }
0x17e: {  	s22 =	sadd.s32 $0x1, s22  }
0x17f: {  	s23 =	sadd.s32 $0x10, s23;
	p0 =	sne.s32 s22, s11;
	v0 =	vmax.f32 v0, $0.0e+00  }
.Ltmp1:
0x180: {  	[tilespmem:s23+$0x0] =	vst v0;
	(pc) =	sbr.rel @p0 .LBB2_1-.Ltmp1, $4  }
0x181: {  	[hbm4b:s10+s1] =	stream.linear.scatter [tilespmem:s20], [sflag:$0x2], $0x200, $0x38;
	[tilespmem:$0x8630] =	vst v63  }
0x182: {  	_ =	swait.ge [sflag:s13], $0x200  }
0x183: {  	[sflag:s13] =	ssyncset.done $0x0  }
0x184: {  	[sflag:s13] =	ssyncadd.s32 $0xFFFFFE00  }
0x185: {  	_ =	sfence.sel $0x180000  }
0x186: {  	[bflag:$0x0] =	sbarrier.arrive $0xFFFF  }
0x187: {  	_ =	strace $0x90000047  }
0x188: {  	s0 =	stileid.u32;
	[bflag:$0x2] =	sbarrier.arrive $0xFFFF  }
0x189: {  	p0 =	sne.s32 s0, $0x0;
	s0 =	rddreg [dreg:$0x4]  }
0x18a: {  	s0 =	sadd.s32 @!p0 $0x100000, s0  }
0x18b: {  	[sflag:s0] =	ssyncadd.tile.s32 @!p0 $0x1;
	_ =	shalt  }
.Lfunc_end2:
_tile_overlayer_lowered:
.L_overlay_start_2:
0x18c: {  	(tag) =	ssettag $0x2  }
0x18d: {  	s0 =	rddreg [dreg:$0x0];
	s2 =	stileid.u32  }
0x18e: {  	s1 =	rddreg [dreg:$0x1];
	p0 =	sne.s32 s2, $0x0  }
0x18f: {  	s3 =	rddreg [dreg:$0x2];
	[bflag:$0x3] =	sbarrier.arrive $0xFFFF;
	s2 =	simm.s32 @!p0 $0x1C02  }
0x190: {  	[timem:s3], [sflag:s2] =	dma.local @!p0 [hbm:s0], s1  }
0x191: {  	s0 =	simm.s32 @!p0 $0x2  }
0x192: {  	_ =	swait.ge @!p0 [sflag:s0], s1  }
0x193: {  	s1 =	ssub.s32 @!p0 $0x0, s1;
	[sflag:s0] =	ssyncset.done @!p0 $0x0  }
0x194: {  	[sflag:s0] =	ssyncadd.s32 @!p0 s1  }
0x195: {  	[bflag:$0x3] =	sbarrier.arrive $0xFFFF  }
0x196: {  	_ =	shalt  }

</sc_bundles>
